<compile_context>
chip_gen: v7x
topology: tpu7x:2x2x1
jax: 0.10.2.dev20260603
libtpu: 0.0.44.dev20260713+nightly
codegen_flags: <defaults>
</compile_context>

<pallas_src>
import functools

import jax
import jax.numpy as jnp
from jax import lax
from jax.experimental import pallas as pl
from jax.experimental.pallas import tpu as pltpu
from jax.experimental.pallas import tpu_sc as plsc

_V = 1000000
_D = 64
_B = 16384

_info = plsc.get_sparse_core_info()
_NC, _NS, _L = _info.num_cores, _info.num_subcores, _info.num_lanes
_NW = _NC * _NS
_SLAB = 512
_UNITS = 1954
_TAIL_U = 1953
_TAIL_OFF = _TAIL_U * _SLAB
_TAIL_W = _V - _TAIL_OFF
_UPW = 61
_LOC_CAP = 4096
_RING = 128


def kernel(labels, table, gamma, beta, null_emb):
    del null_emb

    table_t = table.T

    mesh = plsc.VectorSubcoreMesh(core_axis_name="c", subcore_axis_name="s")

    @functools.partial(
        pl.kernel,
        mesh=mesh,
        out_type=jax.ShapeDtypeStruct((_B * _D,), jnp.float32),
        scratch_types=[
            pltpu.VMEM((_B,), jnp.int32),
            pltpu.VMEM((_LOC_CAP,), jnp.int32),
            pltpu.VMEM((_LOC_CAP,), jnp.int32),
            pltpu.VMEM((_D, _SLAB), jnp.float32),
            pltpu.VMEM((_D, _SLAB), jnp.float32),
            pltpu.VMEM((_RING, _D), jnp.float32),
            pltpu.VMEM((_L,), jnp.int32),
            pltpu.VMEM((_L,), jnp.int32),
            pltpu.VMEM((_D,), jnp.float32),
            pltpu.VMEM((_D,), jnp.float32),
            pltpu.SemaphoreType.DMA,
            pltpu.SemaphoreType.DMA,
            pltpu.SemaphoreType.DMA,
        ],
        compiler_params=pltpu.CompilerParams(
            needs_layout_passes=False, use_tc_tiling_on_sc=True),
    )
    def _emb_ln(labels_h, tt_h, gamma_h, beta_h, out_h,
                lab_v, loc_r, loc_i, buf_a, buf_b, ring_v, tmp_r, tmp_i,
                gam_v, bet_v, sem_a, sem_b, sem_w):
        wid = lax.axis_index("s") * _NC + lax.axis_index("c")
        u0 = wid * _UPW + jnp.minimum(wid, 2)
        nu = _UPW + jnp.where(wid < 2, 1, 0)
        u_end = u0 + nu
        lo = u0 * _SLAB
        hi = u_end * _SLAB

        pltpu.sync_copy(gamma_h, gam_v)
        pltpu.sync_copy(beta_h, bet_v)
        pltpu.sync_copy(labels_h, lab_v)

        lane = lax.broadcasted_iota(jnp.int32, (_L,), 0)

        def start_unit(u, buf, sem):
            act = u < u_end
            is_tail = u == _TAIL_U
            s0 = pl.multiple_of(u * _SLAB, _SLAB)

            @pl.when(act & jnp.logical_not(is_tail))
            def _():
                pltpu.make_async_copy(
                    tt_h.at[:, pl.ds(s0, _SLAB)], buf, sem).start()

            @pl.when(act & is_tail)
            def _():
                pltpu.make_async_copy(
                    tt_h.at[:, pl.ds(pl.multiple_of(u * _SLAB, 128), 128)],
                    buf.at[:, pl.ds(0, 128)], sem).start()

        def wait_unit(u, buf, sem):
            act = u < u_end
            is_tail = u == _TAIL_U

            @pl.when(act & jnp.logical_not(is_tail))
            def _():
                pltpu.make_async_copy(
                    tt_h.at[:, pl.ds(0, _SLAB)], buf, sem).wait()

            @pl.when(act & is_tail)
            def _():
                pltpu.make_async_copy(
                    tt_h.at[:, pl.ds(0, 128)],
                    buf.at[:, pl.ds(0, 128)], sem).wait()

        start_unit(u0, buf_a, sem_a)
        start_unit(u0 + 1, buf_b, sem_b)

        def fbody(k, cnt):
            lv = lab_v[pl.ds(k * _L, _L)]
            iv = lane + k * _L
            m = (lv >= lo) & (lv < hi)
            plsc.store_compressed(loc_r.at[pl.ds(cnt, _L)], lv, mask=m)
            plsc.store_compressed(loc_i.at[pl.ds(cnt, _L)], iv, mask=m)
            pc = plsc.all_reduce_population_count(m)
            return cnt + pc[0]

        n_loc = lax.fori_loop(0, _B // _L, fbody, jnp.int32(0))
        n_vregs = (n_loc + _L - 1) // _L

        inv_d = jnp.float32(1.0 / _D)
        nt = _D // _L
        gvs = [gam_v[pl.ds(t * _L, _L)] for t in range(nt)]
        bvs = [bet_v[pl.ds(t * _L, _L)] for t in range(nt)]
        cvecs = [lane + t * _L for t in range(nt)]

        def process_unit(u, buf, cnt):
            act = u < u_end
            s0 = u * _SLAB
            s1 = s0 + _SLAB

            def svb(p, cnt):
                lv = loc_r[pl.ds(p * _L, _L)]
                iv = loc_i[pl.ds(p * _L, _L)]
                m = (lv >= s0) & (lv < s1)
                plsc.store_compressed(tmp_r.at[pl.ds(0, _L)], lv, mask=m)
                plsc.store_compressed(tmp_i.at[pl.ds(0, _L)], iv, mask=m)
                pc = plsc.all_reduce_population_count(m)

                def mbody(j, cnt):
                    jv = jnp.full((_L,), j, jnp.int32)
                    rv = plsc.load_gather(tmp_r, [jv])
                    pv = plsc.load_gather(tmp_i, [jv])
                    col = rv - s0
                    xs = [plsc.load_gather(buf, [cvecs[t], col])
                          for t in range(nt)]
                    s = (xs[0] + xs[1]) + (xs[2] + xs[3])
                    q = (xs[0] * xs[0] + xs[1] * xs[1]) + (
                        xs[2] * xs[2] + xs[3] * xs[3])
                    mean = jnp.sum(s, axis=0) * inv_d
                    var = jnp.sum(q, axis=0) * inv_d - mean * mean
                    vpe = var + jnp.float32(1e-5)
                    bits = lax.bitcast_convert_type(vpe, jnp.int32)
                    bits = jnp.int32(0x5F3759DF) - lax.shift_right_arithmetic(
                        bits, jnp.int32(1))
                    y = lax.bitcast_convert_type(bits, jnp.float32)
                    half = jnp.float32(0.5) * vpe
                    for _ in range(3):
                        y = y * (jnp.float32(1.5) - half * y * y)

                    slot = lax.rem(cnt, jnp.int32(_RING))

                    @pl.when(cnt >= _RING)
                    def _():
                        pltpu.make_async_copy(
                            ring_v.at[0], out_h.at[pl.ds(0, _D)],
                            sem_w).wait()

                    for t in range(nt):
                        ring_v[slot, pl.ds(t * _L, _L)] = (
                            (xs[t] - mean) * (y * gvs[t]) + bvs[t])
                    oi = pv[0]
                    pltpu.make_async_copy(
                        ring_v.at[slot], out_h.at[pl.ds(oi * _D, _D)],
                        sem_w).start()
                    return cnt + 1

                return lax.fori_loop(0, pc[0], mbody, cnt)

            bound = jnp.where(act, n_vregs, 0)
            return lax.fori_loop(0, bound, svb, cnt)

        def unit_pair(t, cnt):
            ua = u0 + 2 * t
            ub = ua + 1
            wait_unit(ua, buf_a, sem_a)
            cnt = process_unit(ua, buf_a, cnt)
            start_unit(ua + 2, buf_a, sem_a)
            wait_unit(ub, buf_b, sem_b)
            cnt = process_unit(ub, buf_b, cnt)
            start_unit(ub + 2, buf_b, sem_b)
            return cnt

        cnt = lax.fori_loop(0, (_UPW + 2) // 2, unit_pair, jnp.int32(0))

        def dbody(_, c):
            pltpu.make_async_copy(
                ring_v.at[0], out_h.at[pl.ds(0, _D)], sem_w).wait()
            return c

        lax.fori_loop(0, jnp.minimum(cnt, _RING), dbody, jnp.int32(0))

    out1d = _emb_ln(labels, table_t, gamma, beta)
    return out1d.reshape(_B, _D)

# --- scband reference (transcript-rebuilt; emitter-appended) ---
"""Pipeline reference for scband-categorical-label-embedder-76622216560874 (READ-ONLY COPY).

The authoritative reference and input builder live on the scoring server;
editing this copy changes nothing except your own understanding.
"""

import jax, jax.numpy as jnp
import numpy as np

CLS_NUM = 1000000
EMB_DIM = 64
BATCH = 16384

def setup_inputs(seed: int = 0) -> dict:
    key = jax.random.key(seed)
    k1, k2, k3 = jax.random.split(key, 3)
    labels = jax.random.randint(k1, (BATCH,), 0, CLS_NUM, dtype=jnp.int64 if jax.config.jax_enable_x64 else jnp.int32).astype(jnp.int32)
    table = (jax.random.normal(k2, (CLS_NUM, EMB_DIM), dtype=jnp.float32) * 0.02)
    null_emb = (jax.random.normal(k3, (EMB_DIM,), dtype=jnp.float32) * 0.02)
    gamma = jnp.ones((EMB_DIM,), dtype=jnp.float32)
    beta = jnp.zeros((EMB_DIM,), dtype=jnp.float32)
    return {"labels": labels, "table": table, "gamma": gamma, "beta": beta, "null_emb": null_emb}

def _layernorm(x, gamma, beta, eps=1e-5):
    mean = jnp.mean(x, axis=-1, keepdims=True)
    var = jnp.var(x, axis=-1, keepdims=True)
    return (x - mean) / jnp.sqrt(var + eps) * gamma + beta

def reference(labels, table, gamma, beta, null_emb):
    # clamp labels into valid range (faithful to torch.clamp)
    labels = jnp.clip(labels, 0, CLS_NUM - 1)
    # embedding lookup (SparseCore gather)
    emb = jnp.take(table, labels, axis=0)
    # LayerNorm
    out = _layernorm(emb, gamma, beta)
    # use_drop=False path: no cfg dropout applied (eval mode, no force_drop_ids).
    # null_emb is a parameter of the module but unused on this path.
    return out

if __name__ == "__main__":
    import jax
    _d = setup_inputs()
    print(jax.jit(kernel)(*tuple(_d.values())))

</pallas_src>

<mosaic_0001>
#map = affine_map<(d0, d1) -> (0)>
#map1 = affine_map<(d0, d1) -> (0, 0)>
module attributes {stable_mosaic.version = 14 : i64} {
  func.func @_emb_ln(%arg0: i32, %arg1: i32, %arg2: memref<16384xi32, #tpu.memory_space<hbm>>, %arg3: memref<64x1000000xf32, #tpu.memory_space<hbm>>, %arg4: memref<64xf32, #tpu.memory_space<hbm>>, %arg5: memref<64xf32, #tpu.memory_space<hbm>>, %arg6: memref<1048576xf32, #tpu.memory_space<hbm>>, %arg7: memref<16384xi32, #tpu.memory_space<vmem>>, %arg8: memref<4096xi32, #tpu.memory_space<vmem>>, %arg9: memref<4096xi32, #tpu.memory_space<vmem>>, %arg10: memref<64x512xf32, #tpu.memory_space<vmem>>, %arg11: memref<64x512xf32, #tpu.memory_space<vmem>>, %arg12: memref<128x64xf32, #tpu.memory_space<vmem>>, %arg13: memref<16xi32, #tpu.memory_space<vmem>>, %arg14: memref<16xi32, #tpu.memory_space<vmem>>, %arg15: memref<64xf32, #tpu.memory_space<vmem>>, %arg16: memref<64xf32, #tpu.memory_space<vmem>>, %arg17: memref<!tpu.dma_semaphore, #tpu.memory_space<semaphore_mem>>, %arg18: memref<!tpu.dma_semaphore, #tpu.memory_space<semaphore_mem>>, %arg19: memref<!tpu.dma_semaphore, #tpu.memory_space<semaphore_mem>>) attributes {dimension_semantics = [#tpu.dimension_semantics<core_parallel>, #tpu.dimension_semantics<subcore_parallel>], iteration_bounds = array<i64: 2, 16>, scalar_prefetch = 0 : i64, scratch_operands = 13 : i64, tpu.core_type = #tpu.core_type<sc_vector_subcore>, window_params = [{transform_indices = #map}, {transform_indices = #map1}, {transform_indices = #map}, {transform_indices = #map}, {transform_indices = #map}]} {
    %mul3A = arith.constant 2 : i32
    %mul3A_0 = arith.muli %arg1, %mul3A : i32
    %add3A = arith.addi %mul3A_0, %arg0 : i32
    %mul3A_1 = arith.constant 61 : i32
    %mul3A_2 = arith.muli %add3A, %mul3A_1 : i32
    %min3A = arith.constant 2 : i32
    %min3A_3 = arith.minsi %add3A, %min3A : i32
    %add3A_4 = arith.addi %mul3A_2, %min3A_3 : i32
    %lt3A = arith.constant 2 : i32
    %lt3A_5 = arith.cmpi slt, %add3A, %lt3A : i32
    %jit3A = arith.constant 1 : i32
    %jit3A_6 = arith.constant 0 : i32
    %select_n3A = arith.select %lt3A_5, %jit3A, %jit3A_6 : i32
    %add3A_7 = arith.constant 61 : i32
    %add3A_8 = arith.addi %add3A_7, %select_n3A : i32
    %add3A_9 = arith.addi %add3A_4, %add3A_8 : i32
    %mul3A_10 = arith.constant 512 : i32
    %mul3A_11 = arith.muli %add3A_4, %mul3A_10 : i32
    %mul3A_12 = arith.constant 512 : i32
    %mul3A_13 = arith.muli %add3A_9, %mul3A_12 : i32
    "tpu.region"() ({
      %run_scoped3A = tpu.sem_alloc : memref<!tpu.dma_semaphore, #tpu.memory_space<semaphore_mem>>
      tpu.enqueue_dma source(%arg4 : memref<64xf32, #tpu.memory_space<hbm>>) target(%arg15 : memref<64xf32, #tpu.memory_space<vmem>>) target_semaphore(%run_scoped3A : memref<!tpu.dma_semaphore, #tpu.memory_space<semaphore_mem>>)
      tpu.wait_dma2 semaphore(%run_scoped3A : memref<!tpu.dma_semaphore, #tpu.memory_space<semaphore_mem>>) src(%arg4 : memref<64xf32, #tpu.memory_space<hbm>>) dst(%arg15 : memref<64xf32, #tpu.memory_space<vmem>>)
      tpu.yield
    }) : () -> ()
    "tpu.region"() ({
      %run_scoped3A = tpu.sem_alloc : memref<!tpu.dma_semaphore, #tpu.memory_space<semaphore_mem>>
      tpu.enqueue_dma source(%arg5 : memref<64xf32, #tpu.memory_space<hbm>>) target(%arg16 : memref<64xf32, #tpu.memory_space<vmem>>) target_semaphore(%run_scoped3A : memref<!tpu.dma_semaphore, #tpu.memory_space<semaphore_mem>>)
      tpu.wait_dma2 semaphore(%run_scoped3A : memref<!tpu.dma_semaphore, #tpu.memory_space<semaphore_mem>>) src(%arg5 : memref<64xf32, #tpu.memory_space<hbm>>) dst(%arg16 : memref<64xf32, #tpu.memory_space<vmem>>)
      tpu.yield
    }) : () -> ()
    "tpu.region"() ({
      %run_scoped3A = tpu.sem_alloc : memref<!tpu.dma_semaphore, #tpu.memory_space<semaphore_mem>>
      tpu.enqueue_dma source(%arg2 : memref<16384xi32, #tpu.memory_space<hbm>>) target(%arg7 : memref<16384xi32, #tpu.memory_space<vmem>>) target_semaphore(%run_scoped3A : memref<!tpu.dma_semaphore, #tpu.memory_space<semaphore_mem>>)
      tpu.wait_dma2 semaphore(%run_scoped3A : memref<!tpu.dma_semaphore, #tpu.memory_space<semaphore_mem>>) src(%arg2 : memref<16384xi32, #tpu.memory_space<hbm>>) dst(%arg7 : memref<16384xi32, #tpu.memory_space<vmem>>)
      tpu.yield
    }) : () -> ()
    %iota3A = tpu.iota {dimensions = array<i32: 0>} : vector<16xi32>
    %lt3A_14 = arith.cmpi slt, %add3A_4, %add3A_9 : i32
    %eq3A = arith.constant 1953 : i32
    %eq3A_15 = arith.cmpi eq, %add3A_4, %eq3A : i32
    %mul3A_16 = arith.constant 512 : i32
    %mul3A_17 = arith.muli %add3A_4, %mul3A_16 : i32
    %multiple_of3A = tpu.assume_multiple %mul3A_17, 512 : i32
    %not3A = arith.constant true
    %not3A_18 = arith.xori %eq3A_15, %not3A : i1
    %and3A = arith.andi %lt3A_14, %not3A_18 : i1
    %convert_element_type3A = arith.extui %and3A : i1 to i32
    %cond3A = arith.constant 0 : i32
    %cond3A_19 = arith.cmpi ne, %convert_element_type3A, %cond3A : i32
    scf.if %cond3A_19 {
      %dma_start3A = arith.constant 0 : i32
      %dma_start3A_117 = tpu.memref_slice %arg3[%dma_start3A, %multiple_of3A] : memref<64x1000000xf32, #tpu.memory_space<hbm>> -> memref<64x512xf32, #tpu.memory_space<hbm>>
      %dma_start3A_118 = arith.constant 0 : i32
      %dma_start3A_119 = tpu.memref_slice %arg3[%dma_start3A_118, %multiple_of3A] : memref<64x1000000xf32, #tpu.memory_space<hbm>> -> memref<64x512xf32, #tpu.memory_space<hbm>>
      tpu.enqueue_dma source(%dma_start3A_119 : memref<64x512xf32, #tpu.memory_space<hbm>>) target(%arg10 : memref<64x512xf32, #tpu.memory_space<vmem>>) target_semaphore(%arg17 : memref<!tpu.dma_semaphore, #tpu.memory_space<semaphore_mem>>)
    } else {
    }
    %and3A_20 = arith.andi %lt3A_14, %eq3A_15 : i1
    %convert_element_type3A_21 = arith.extui %and3A_20 : i1 to i32
    %cond3A_22 = arith.constant 0 : i32
    %cond3A_23 = arith.cmpi ne, %convert_element_type3A_21, %cond3A_22 : i32
    scf.if %cond3A_23 {
      %mul3A_117 = arith.constant 512 : i32
      %mul3A_118 = arith.muli %add3A_4, %mul3A_117 : i32
      %multiple_of3A_119 = tpu.assume_multiple %mul3A_118, 128 : i32
      %dma_start3A = arith.constant 0 : i32
      %dma_start3A_120 = arith.constant 0 : i32
      %dma_start3A_121 = tpu.memref_slice %arg10[%dma_start3A, %dma_start3A_120] : memref<64x512xf32, #tpu.memory_space<vmem>> -> memref<64x128xf32, #tpu.memory_space<vmem>>
      %dma_start3A_122 = arith.constant 0 : i32
      %dma_start3A_123 = tpu.memref_slice %arg3[%dma_start3A_122, %multiple_of3A_119] : memref<64x1000000xf32, #tpu.memory_space<hbm>> -> memref<64x128xf32, #tpu.memory_space<hbm>>
      %dma_start3A_124 = arith.constant 0 : i32
      %dma_start3A_125 = arith.constant 0 : i32
      %dma_start3A_126 = tpu.memref_slice %arg10[%dma_start3A_124, %dma_start3A_125] : memref<64x512xf32, #tpu.memory_space<vmem>> -> memref<64x128xf32, #tpu.memory_space<vmem>>
      %dma_start3A_127 = arith.constant 0 : i32
      %dma_start3A_128 = tpu.memref_slice %arg3[%dma_start3A_127, %multiple_of3A_119] : memref<64x1000000xf32, #tpu.memory_space<hbm>> -> memref<64x128xf32, #tpu.memory_space<hbm>>
      tpu.enqueue_dma source(%dma_start3A_128 : memref<64x128xf32, #tpu.memory_space<hbm>>) target(%dma_start3A_126 : memref<64x128xf32, #tpu.memory_space<vmem>>) target_semaphore(%arg17 : memref<!tpu.dma_semaphore, #tpu.memory_space<semaphore_mem>>)
    } else {
    }
    %add3A_24 = arith.constant 1 : i32
    %add3A_25 = arith.addi %add3A_4, %add3A_24 : i32
    %lt3A_26 = arith.cmpi slt, %add3A_25, %add3A_9 : i32
    %eq3A_27 = arith.constant 1953 : i32
    %eq3A_28 = arith.cmpi eq, %add3A_25, %eq3A_27 : i32
    %mul3A_29 = arith.constant 512 : i32
    %mul3A_30 = arith.muli %add3A_25, %mul3A_29 : i32
    %multiple_of3A_31 = tpu.assume_multiple %mul3A_30, 512 : i32
    %not3A_32 = arith.constant true
    %not3A_33 = arith.xori %eq3A_28, %not3A_32 : i1
    %and3A_34 = arith.andi %lt3A_26, %not3A_33 : i1
    %convert_element_type3A_35 = arith.extui %and3A_34 : i1 to i32
    %cond3A_36 = arith.constant 0 : i32
    %cond3A_37 = arith.cmpi ne, %convert_element_type3A_35, %cond3A_36 : i32
    scf.if %cond3A_37 {
      %dma_start3A = arith.constant 0 : i32
      %dma_start3A_117 = tpu.memref_slice %arg3[%dma_start3A, %multiple_of3A_31] : memref<64x1000000xf32, #tpu.memory_space<hbm>> -> memref<64x512xf32, #tpu.memory_space<hbm>>
      %dma_start3A_118 = arith.constant 0 : i32
      %dma_start3A_119 = tpu.memref_slice %arg3[%dma_start3A_118, %multiple_of3A_31] : memref<64x1000000xf32, #tpu.memory_space<hbm>> -> memref<64x512xf32, #tpu.memory_space<hbm>>
      tpu.enqueue_dma source(%dma_start3A_119 : memref<64x512xf32, #tpu.memory_space<hbm>>) target(%arg11 : memref<64x512xf32, #tpu.memory_space<vmem>>) target_semaphore(%arg18 : memref<!tpu.dma_semaphore, #tpu.memory_space<semaphore_mem>>)
    } else {
    }
    %and3A_38 = arith.andi %lt3A_26, %eq3A_28 : i1
    %convert_element_type3A_39 = arith.extui %and3A_38 : i1 to i32
    %cond3A_40 = arith.constant 0 : i32
    %cond3A_41 = arith.cmpi ne, %convert_element_type3A_39, %cond3A_40 : i32
    scf.if %cond3A_41 {
      %mul3A_117 = arith.constant 512 : i32
      %mul3A_118 = arith.muli %add3A_25, %mul3A_117 : i32
      %multiple_of3A_119 = tpu.assume_multiple %mul3A_118, 128 : i32
      %dma_start3A = arith.constant 0 : i32
      %dma_start3A_120 = arith.constant 0 : i32
      %dma_start3A_121 = tpu.memref_slice %arg11[%dma_start3A, %dma_start3A_120] : memref<64x512xf32, #tpu.memory_space<vmem>> -> memref<64x128xf32, #tpu.memory_space<vmem>>
      %dma_start3A_122 = arith.constant 0 : i32
      %dma_start3A_123 = tpu.memref_slice %arg3[%dma_start3A_122, %multiple_of3A_119] : memref<64x1000000xf32, #tpu.memory_space<hbm>> -> memref<64x128xf32, #tpu.memory_space<hbm>>
      %dma_start3A_124 = arith.constant 0 : i32
      %dma_start3A_125 = arith.constant 0 : i32
      %dma_start3A_126 = tpu.memref_slice %arg11[%dma_start3A_124, %dma_start3A_125] : memref<64x512xf32, #tpu.memory_space<vmem>> -> memref<64x128xf32, #tpu.memory_space<vmem>>
      %dma_start3A_127 = arith.constant 0 : i32
      %dma_start3A_128 = tpu.memref_slice %arg3[%dma_start3A_127, %multiple_of3A_119] : memref<64x1000000xf32, #tpu.memory_space<hbm>> -> memref<64x128xf32, #tpu.memory_space<hbm>>
      tpu.enqueue_dma source(%dma_start3A_128 : memref<64x128xf32, #tpu.memory_space<hbm>>) target(%dma_start3A_126 : memref<64x128xf32, #tpu.memory_space<vmem>>) target_semaphore(%arg18 : memref<!tpu.dma_semaphore, #tpu.memory_space<semaphore_mem>>)
    } else {
    }
    %scan3A = arith.constant 0 : i32
    %scan3A_42 = arith.constant 0 : i32
    %scan3A_43 = arith.constant 1024 : i32
    %scan3A_44 = arith.addi %scan3A_42, %scan3A_43 : i32
    %scan3A_45 = arith.constant 1 : i32
    %scan3A_46 = scf.for %scan3A_117 = %scan3A_42 to %scan3A_44 step %scan3A_45 iter_args(%scan3A_118 = %scan3A) -> (i32)  : i32 {
      %mul3A_119 = arith.constant 16 : i32
      %mul3A_120 = arith.muli %scan3A_117, %mul3A_119 : i32
      %get3A_121 = arith.index_cast %mul3A_120 : i32 to index
      %get3A_122 = tpu.vector_load %arg7[%get3A_121] {strides = array<i32>} : memref<16384xi32, #tpu.memory_space<vmem>>, vector<16xi32>,
      %mul3A_123 = arith.constant 16 : i32
      %mul3A_124 = arith.muli %scan3A_117, %mul3A_123 : i32
      %add3A_125 = vector.broadcast %mul3A_124 : i32 to vector<16xi32>
      %add3A_126 = arith.addi %iota3A, %add3A_125 : vector<16xi32>
      %ge3A = vector.broadcast %mul3A_11 : i32 to vector<16xi32>
      %ge3A_127 = arith.cmpi sge, %get3A_122, %ge3A : vector<16xi32>
      %lt3A_128 = vector.broadcast %mul3A_13 : i32 to vector<16xi32>
      %lt3A_129 = arith.cmpi slt, %get3A_122, %lt3A_128 : vector<16xi32>
      %and3A_130 = arith.andi %ge3A_127, %lt3A_129 : vector<16xi1>
      %swap3A = arith.index_cast %scan3A_118 : i32 to index
      %swap3A_131 = tpu.vector_load %arg8[%swap3A] masked %and3A_130 {strides = array<i32>} : memref<4096xi32, #tpu.memory_space<vmem>>, vector<16xi32>, vector<16xi1>
      tpu.vector_store %arg8[%swap3A], %get3A_122 masked %and3A_130 {strides = array<i32>} : memref<4096xi32, #tpu.memory_space<vmem>>, vector<16xi32>, vector<16xi1>
      %swap3A_132 = arith.index_cast %scan3A_118 : i32 to index
      %swap3A_133 = tpu.vector_load %arg9[%swap3A_132] masked %and3A_130 {strides = array<i32>} : memref<4096xi32, #tpu.memory_space<vmem>>, vector<16xi32>, vector<16xi1>
      tpu.vector_store %arg9[%swap3A_132], %add3A_126 masked %and3A_130 {strides = array<i32>} : memref<4096xi32, #tpu.memory_space<vmem>>, vector<16xi32>, vector<16xi1>
      %all_reduce_population_count3A = tpu.all_reduce %and3A_130 {dim = 0 : i64, kind = #tpu.reduction_kind<sum>} : vector<16xi1> -> vector<16xi32>
      %slice3A = vector.extract_strided_slice %all_reduce_population_count3A {offsets = [0], sizes = [1], strides = [1]} : vector<16xi32> to vector<1xi32>
      %squeeze3A = vector.extract %slice3A[0] : i32 from vector<1xi32>
      %add3A_134 = arith.addi %scan3A_118, %squeeze3A : i32
      scf.yield %add3A_134 : i32
    }
    %scan3A_47 = arith.constant 1024 : i32
    %add3A_48 = arith.constant 16 : i32
    %add3A_49 = arith.addi %scan3A_46, %add3A_48 : i32
    %sub3A = arith.constant 1 : i32
    %sub3A_50 = arith.subi %add3A_49, %sub3A : i32
    %jit3A_51 = arith.constant 16 : i32
    %div3A = arith.divsi %sub3A_50, %jit3A_51 : i32
    %sign3A = arith.constant 0 : i32
    %sign3A_52 = arith.cmpi sgt, %sub3A_50, %sign3A : i32
    %sign3A_53 = arith.extui %sign3A_52 : i1 to i32
    %sign3A_54 = arith.constant 0 : i32
    %sign3A_55 = arith.cmpi slt, %sub3A_50, %sign3A_54 : i32
    %sign3A_56 = arith.extui %sign3A_55 : i1 to i32
    %sign3A_57 = arith.subi %sign3A_53, %sign3A_56 : i32
    %sign3A_58 = arith.constant 0 : i32
    %sign3A_59 = arith.cmpi sgt, %jit3A_51, %sign3A_58 : i32
    %sign3A_60 = arith.extui %sign3A_59 : i1 to i32
    %sign3A_61 = arith.constant 0 : i32
    %sign3A_62 = arith.cmpi slt, %jit3A_51, %sign3A_61 : i32
    %sign3A_63 = arith.extui %sign3A_62 : i1 to i32
    %sign3A_64 = arith.subi %sign3A_60, %sign3A_63 : i32
    %ne3A = arith.cmpi ne, %sign3A_57, %sign3A_64 : i32
    %rem3A = arith.remsi %sub3A_50, %jit3A_51 : i32
    %ne3A_65 = arith.constant 0 : i32
    %ne3A_66 = arith.cmpi ne, %rem3A, %ne3A_65 : i32
    %and3A_67 = arith.andi %ne3A, %ne3A_66 : i1
    %sub3A_68 = arith.constant 1 : i32
    %sub3A_69 = arith.subi %div3A, %sub3A_68 : i32
    %select_n3A_70 = arith.select %and3A_67, %sub3A_69, %div3A : i32
    %get3A = arith.constant 0 : index
    %get3A_71 = tpu.vector_load %arg15[%get3A] {strides = array<i32>} : memref<64xf32, #tpu.memory_space<vmem>>, vector<16xf32>,
    %get3A_72 = arith.constant 16 : index
    %get3A_73 = tpu.vector_load %arg15[%get3A_72] {strides = array<i32>} : memref<64xf32, #tpu.memory_space<vmem>>, vector<16xf32>,
    %get3A_74 = arith.constant 32 : index
    %get3A_75 = tpu.vector_load %arg15[%get3A_74] {strides = array<i32>} : memref<64xf32, #tpu.memory_space<vmem>>, vector<16xf32>,
    %get3A_76 = arith.constant 48 : index
    %get3A_77 = tpu.vector_load %arg15[%get3A_76] {strides = array<i32>} : memref<64xf32, #tpu.memory_space<vmem>>, vector<16xf32>,
    %get3A_78 = arith.constant 0 : index
    %get3A_79 = tpu.vector_load %arg16[%get3A_78] {strides = array<i32>} : memref<64xf32, #tpu.memory_space<vmem>>, vector<16xf32>,
    %get3A_80 = arith.constant 16 : index
    %get3A_81 = tpu.vector_load %arg16[%get3A_80] {strides = array<i32>} : memref<64xf32, #tpu.memory_space<vmem>>, vector<16xf32>,
    %get3A_82 = arith.constant 32 : index
    %get3A_83 = tpu.vector_load %arg16[%get3A_82] {strides = array<i32>} : memref<64xf32, #tpu.memory_space<vmem>>, vector<16xf32>,
    %get3A_84 = arith.constant 48 : index
    %get3A_85 = tpu.vector_load %arg16[%get3A_84] {strides = array<i32>} : memref<64xf32, #tpu.memory_space<vmem>>, vector<16xf32>,
    %add3A_86 = arith.constant 0 : i32
    %add3A_87 = vector.broadcast %add3A_86 : i32 to vector<16xi32>
    %add3A_88 = arith.addi %iota3A, %add3A_87 : vector<16xi32>
    %add3A_89 = arith.constant 16 : i32
    %add3A_90 = vector.broadcast %add3A_89 : i32 to vector<16xi32>
    %add3A_91 = arith.addi %iota3A, %add3A_90 : vector<16xi32>
    %add3A_92 = arith.constant 32 : i32
    %add3A_93 = vector.broadcast %add3A_92 : i32 to vector<16xi32>
    %add3A_94 = arith.addi %iota3A, %add3A_93 : vector<16xi32>
    %add3A_95 = arith.constant 48 : i32
    %add3A_96 = vector.broadcast %add3A_95 : i32 to vector<16xi32>
    %add3A_97 = arith.addi %iota3A, %add3A_96 : vector<16xi32>
    %scan3A_98 = arith.constant 1.562500e-02 : f32
    %scan3A_99 = arith.constant 0 : i32
    %scan3A_100 = arith.constant 0 : i32
    %scan3A_101 = arith.constant 31 : i32
    %scan3A_102 = arith.addi %scan3A_100, %scan3A_101 : i32
    %scan3A_103 = arith.constant 1 : i32
    %scan3A_104 = scf.for %scan3A_117 = %scan3A_100 to %scan3A_102 step %scan3A_103 iter_args(%scan3A_118 = %scan3A_99) -> (i32)  : i32 {
      %mul3A_119 = arith.constant 2 : i32
      %mul3A_120 = arith.muli %mul3A_119, %scan3A_117 : i32
      %add3A_121 = arith.addi %add3A_4, %mul3A_120 : i32
      %add3A_122 = arith.constant 1 : i32
      %add3A_123 = arith.addi %add3A_121, %add3A_122 : i32
      %lt3A_124 = arith.cmpi slt, %add3A_121, %add3A_9 : i32
      %eq3A_125 = arith.constant 1953 : i32
      %eq3A_126 = arith.cmpi eq, %add3A_121, %eq3A_125 : i32
      %not3A_127 = arith.constant true
      %not3A_128 = arith.xori %eq3A_126, %not3A_127 : i1
      %and3A_129 = arith.andi %lt3A_124, %not3A_128 : i1
      %convert_element_type3A_130 = arith.extui %and3A_129 : i1 to i32
      %cond3A_131 = arith.constant 0 : i32
      %cond3A_132 = arith.cmpi ne, %convert_element_type3A_130, %cond3A_131 : i32
      scf.if %cond3A_132 {
        %dma_wait3A = arith.constant 0 : i32
        %dma_wait3A_222 = arith.constant 0 : i32
        %dma_wait3A_223 = tpu.memref_slice %arg3[%dma_wait3A, %dma_wait3A_222] : memref<64x1000000xf32, #tpu.memory_space<hbm>> -> memref<64x512xf32, #tpu.memory_space<hbm>>
        %dma_wait3A_224 = arith.constant 0 : i32
        %dma_wait3A_225 = arith.constant 0 : i32
        %dma_wait3A_226 = tpu.memref_slice %arg3[%dma_wait3A_224, %dma_wait3A_225] : memref<64x1000000xf32, #tpu.memory_space<hbm>> -> memref<64x512xf32, #tpu.memory_space<hbm>>
        tpu.wait_dma2 semaphore(%arg17 : memref<!tpu.dma_semaphore, #tpu.memory_space<semaphore_mem>>) src(%dma_wait3A_226 : memref<64x512xf32, #tpu.memory_space<hbm>>) dst(%arg10 : memref<64x512xf32, #tpu.memory_space<vmem>>)
      } else {
      }
      %and3A_133 = arith.andi %lt3A_124, %eq3A_126 : i1
      %convert_element_type3A_134 = arith.extui %and3A_133 : i1 to i32
      %cond3A_135 = arith.constant 0 : i32
      %cond3A_136 = arith.cmpi ne, %convert_element_type3A_134, %cond3A_135 : i32
      scf.if %cond3A_136 {
        %dma_wait3A = arith.constant 0 : i32
        %dma_wait3A_222 = arith.constant 0 : i32
        %dma_wait3A_223 = tpu.memref_slice %arg10[%dma_wait3A, %dma_wait3A_222] : memref<64x512xf32, #tpu.memory_space<vmem>> -> memref<64x128xf32, #tpu.memory_space<vmem>>
        %dma_wait3A_224 = arith.constant 0 : i32
        %dma_wait3A_225 = arith.constant 0 : i32
        %dma_wait3A_226 = tpu.memref_slice %arg3[%dma_wait3A_224, %dma_wait3A_225] : memref<64x1000000xf32, #tpu.memory_space<hbm>> -> memref<64x128xf32, #tpu.memory_space<hbm>>
        %dma_wait3A_227 = arith.constant 0 : i32
        %dma_wait3A_228 = arith.constant 0 : i32
        %dma_wait3A_229 = tpu.memref_slice %arg10[%dma_wait3A_227, %dma_wait3A_228] : memref<64x512xf32, #tpu.memory_space<vmem>> -> memref<64x128xf32, #tpu.memory_space<vmem>>
        %dma_wait3A_230 = arith.constant 0 : i32
        %dma_wait3A_231 = arith.constant 0 : i32
        %dma_wait3A_232 = tpu.memref_slice %arg3[%dma_wait3A_230, %dma_wait3A_231] : memref<64x1000000xf32, #tpu.memory_space<hbm>> -> memref<64x128xf32, #tpu.memory_space<hbm>>
        tpu.wait_dma2 semaphore(%arg17 : memref<!tpu.dma_semaphore, #tpu.memory_space<semaphore_mem>>) src(%dma_wait3A_232 : memref<64x128xf32, #tpu.memory_space<hbm>>) dst(%dma_wait3A_229 : memref<64x128xf32, #tpu.memory_space<vmem>>)
      } else {
      }
      %lt3A_137 = arith.cmpi slt, %add3A_121, %add3A_9 : i32
      %mul3A_138 = arith.constant 512 : i32
      %mul3A_139 = arith.muli %add3A_121, %mul3A_138 : i32
      %add3A_140 = arith.constant 512 : i32
      %add3A_141 = arith.addi %mul3A_139, %add3A_140 : i32
      %jit3A_142 = arith.constant 0 : i32
      %select_n3A_143 = arith.select %lt3A_137, %select_n3A_70, %jit3A_142 : i32
      %while3A_144 = arith.constant 0 : i32
      %while3A_145 = arith.subi %select_n3A_143, %while3A_144 : i32
      %while3A_146 = arith.addi %while3A_144, %while3A_145 : i32
      %while3A_147 = arith.constant 1 : i32
      %while3A_148 = arith.divsi %while3A_145, %while3A_147 : i32
      %while3A_149 = arith.muli %while3A_148, %while3A_147 : i32
      %while3A_150 = arith.addi %while3A_144, %while3A_149 : i32
      %while3A_151 = arith.constant 1 : i32
      %while3A_152 = scf.for %while3A_222 = %while3A_144 to %while3A_150 step %while3A_151 iter_args(%while3A_223 = %scan3A_118) -> (i32)  : i32 {
        %mul3A_224 = arith.constant 16 : i32
        %mul3A_225 = arith.muli %while3A_222, %mul3A_224 : i32
        %get3A_226 = arith.index_cast %mul3A_225 : i32 to index
        %get3A_227 = tpu.vector_load %arg8[%get3A_226] {strides = array<i32>} : memref<4096xi32, #tpu.memory_space<vmem>>, vector<16xi32>,
        %mul3A_228 = arith.constant 16 : i32
        %mul3A_229 = arith.muli %while3A_222, %mul3A_228 : i32
        %get3A_230 = arith.index_cast %mul3A_229 : i32 to index
        %get3A_231 = tpu.vector_load %arg9[%get3A_230] {strides = array<i32>} : memref<4096xi32, #tpu.memory_space<vmem>>, vector<16xi32>,
        %ge3A = vector.broadcast %mul3A_139 : i32 to vector<16xi32>
        %ge3A_232 = arith.cmpi sge, %get3A_227, %ge3A : vector<16xi32>
        %lt3A_233 = vector.broadcast %add3A_141 : i32 to vector<16xi32>
        %lt3A_234 = arith.cmpi slt, %get3A_227, %lt3A_233 : vector<16xi32>
        %and3A_235 = arith.andi %ge3A_232, %lt3A_234 : vector<16xi1>
        %swap3A = arith.constant 0 : index
        %swap3A_236 = tpu.vector_load %arg13[%swap3A] masked %and3A_235 {strides = array<i32>} : memref<16xi32, #tpu.memory_space<vmem>>, vector<16xi32>, vector<16xi1>
        tpu.vector_store %arg13[%swap3A], %get3A_227 masked %and3A_235 {strides = array<i32>} : memref<16xi32, #tpu.memory_space<vmem>>, vector<16xi32>, vector<16xi1>
        %swap3A_237 = arith.constant 0 : index
        %swap3A_238 = tpu.vector_load %arg14[%swap3A_237] masked %and3A_235 {strides = array<i32>} : memref<16xi32, #tpu.memory_space<vmem>>, vector<16xi32>, vector<16xi1>
        tpu.vector_store %arg14[%swap3A_237], %get3A_231 masked %and3A_235 {strides = array<i32>} : memref<16xi32, #tpu.memory_space<vmem>>, vector<16xi32>, vector<16xi1>
        %all_reduce_population_count3A = tpu.all_reduce %and3A_235 {dim = 0 : i64, kind = #tpu.reduction_kind<sum>} : vector<16xi1> -> vector<16xi32>
        %slice3A = vector.extract_strided_slice %all_reduce_population_count3A {offsets = [0], sizes = [1], strides = [1]} : vector<16xi32> to vector<1xi32>
        %squeeze3A = vector.extract %slice3A[0] : i32 from vector<1xi32>
        %while3A_239 = arith.constant 0 : i32
        %while3A_240 = arith.subi %squeeze3A, %while3A_239 : i32
        %while3A_241 = arith.addi %while3A_239, %while3A_240 : i32
        %while3A_242 = arith.constant 1 : i32
        %while3A_243 = arith.divsi %while3A_240, %while3A_242 : i32
        %while3A_244 = arith.muli %while3A_243, %while3A_242 : i32
        %while3A_245 = arith.addi %while3A_239, %while3A_244 : i32
        %while3A_246 = arith.constant 1 : i32
        %while3A_247 = scf.for %while3A_250 = %while3A_239 to %while3A_245 step %while3A_246 iter_args(%while3A_251 = %while3A_223) -> (i32)  : i32 {
          %broadcast_in_dim3A = vector.broadcast %while3A_250 : i32 to vector<16xi32>
          %gather3A = tpu.vector_load_idx %arg13[%broadcast_in_dim3A] : memref<16xi32, #tpu.memory_space<vmem>>[vector<16xi32>], vector<16xi32>,
          %gather3A_252 = tpu.vector_load_idx %arg14[%broadcast_in_dim3A] : memref<16xi32, #tpu.memory_space<vmem>>[vector<16xi32>], vector<16xi32>,
          %sub3A_253 = vector.broadcast %mul3A_139 : i32 to vector<16xi32>
          %sub3A_254 = arith.subi %gather3A, %sub3A_253 : vector<16xi32>
          %gather3A_255 = tpu.vector_load_idx %arg10[%add3A_88, %sub3A_254] : memref<64x512xf32, #tpu.memory_space<vmem>>[vector<16xi32>, vector<16xi32>], vector<16xf32>,
          %gather3A_256 = tpu.vector_load_idx %arg10[%add3A_91, %sub3A_254] : memref<64x512xf32, #tpu.memory_space<vmem>>[vector<16xi32>, vector<16xi32>], vector<16xf32>,
          %gather3A_257 = tpu.vector_load_idx %arg10[%add3A_94, %sub3A_254] : memref<64x512xf32, #tpu.memory_space<vmem>>[vector<16xi32>, vector<16xi32>], vector<16xf32>,
          %gather3A_258 = tpu.vector_load_idx %arg10[%add3A_97, %sub3A_254] : memref<64x512xf32, #tpu.memory_space<vmem>>[vector<16xi32>, vector<16xi32>], vector<16xf32>,
          %add3A_259 = arith.addf %gather3A_255, %gather3A_256 : vector<16xf32>
          %add3A_260 = arith.addf %gather3A_257, %gather3A_258 : vector<16xf32>
          %add3A_261 = arith.addf %add3A_259, %add3A_260 : vector<16xf32>
          %mul3A_262 = arith.mulf %gather3A_255, %gather3A_255 : vector<16xf32>
          %mul3A_263 = arith.mulf %gather3A_256, %gather3A_256 : vector<16xf32>
          %add3A_264 = arith.addf %mul3A_262, %mul3A_263 : vector<16xf32>
          %mul3A_265 = arith.mulf %gather3A_257, %gather3A_257 : vector<16xf32>
          %mul3A_266 = arith.mulf %gather3A_258, %gather3A_258 : vector<16xf32>
          %add3A_267 = arith.addf %mul3A_265, %mul3A_266 : vector<16xf32>
          %add3A_268 = arith.addf %add3A_264, %add3A_267 : vector<16xf32>
          %reduce_sum3A = arith.constant true
          %reduce_sum3A_269 = vector.broadcast %reduce_sum3A : i1 to vector<16xi1>
          %reduce_sum3A_270 = tpu.scan <sum>, %add3A_261 masked %reduce_sum3A_269 : vector<16xf32>, vector<16xi1> -> vector<16xf32>
          %reduce_sum3A_271 = vector.extract %reduce_sum3A_270[15] : f32 from vector<16xf32>
          %mul3A_272 = arith.mulf %reduce_sum3A_271, %scan3A_98 : f32
          %reduce_sum3A_273 = arith.constant true
          %reduce_sum3A_274 = vector.broadcast %reduce_sum3A_273 : i1 to vector<16xi1>
          %reduce_sum3A_275 = tpu.scan <sum>, %add3A_268 masked %reduce_sum3A_274 : vector<16xf32>, vector<16xi1> -> vector<16xf32>
          %reduce_sum3A_276 = vector.extract %reduce_sum3A_275[15] : f32 from vector<16xf32>
          %mul3A_277 = arith.mulf %reduce_sum3A_276, %scan3A_98 : f32
          %mul3A_278 = arith.mulf %mul3A_272, %mul3A_272 : f32
          %sub3A_279 = arith.subf %mul3A_277, %mul3A_278 : f32
          %add3A_280 = arith.constant 9.99999974E-6 : f32
          %add3A_281 = arith.addf %sub3A_279, %add3A_280 : f32
          %bitcast_convert_type3A = arith.bitcast %add3A_281 : f32 to i32
          %shift_right_arithmetic3A = arith.constant 1 : i32
          %shift_right_arithmetic3A_282 = arith.shrsi %bitcast_convert_type3A, %shift_right_arithmetic3A : i32
          %sub3A_283 = arith.constant 1597463007 : i32
          %sub3A_284 = arith.subi %sub3A_283, %shift_right_arithmetic3A_282 : i32
          %bitcast_convert_type3A_285 = arith.bitcast %sub3A_284 : i32 to f32
          %mul3A_286 = arith.constant 5.000000e-01 : f32
          %mul3A_287 = arith.mulf %mul3A_286, %add3A_281 : f32
          %mul3A_288 = arith.mulf %mul3A_287, %bitcast_convert_type3A_285 : f32
          %mul3A_289 = arith.mulf %mul3A_288, %bitcast_convert_type3A_285 : f32
          %sub3A_290 = arith.constant 1.500000e+00 : f32
          %sub3A_291 = arith.subf %sub3A_290, %mul3A_289 : f32
          %mul3A_292 = arith.mulf %bitcast_convert_type3A_285, %sub3A_291 : f32
          %mul3A_293 = arith.mulf %mul3A_287, %mul3A_292 : f32
          %mul3A_294 = arith.mulf %mul3A_293, %mul3A_292 : f32
          %sub3A_295 = arith.constant 1.500000e+00 : f32
          %sub3A_296 = arith.subf %sub3A_295, %mul3A_294 : f32
          %mul3A_297 = arith.mulf %mul3A_292, %sub3A_296 : f32
          %mul3A_298 = arith.mulf %mul3A_287, %mul3A_297 : f32
          %mul3A_299 = arith.mulf %mul3A_298, %mul3A_297 : f32
          %sub3A_300 = arith.constant 1.500000e+00 : f32
          %sub3A_301 = arith.subf %sub3A_300, %mul3A_299 : f32
          %mul3A_302 = arith.mulf %mul3A_297, %sub3A_301 : f32
          %rem3A_303 = arith.constant 128 : i32
          %rem3A_304 = arith.remsi %while3A_251, %rem3A_303 : i32
          %ge3A_305 = arith.constant 128 : i32
          %ge3A_306 = arith.cmpi sge, %while3A_251, %ge3A_305 : i32
          %convert_element_type3A_307 = arith.extui %ge3A_306 : i1 to i32
          %cond3A_308 = arith.constant 0 : i32
          %cond3A_309 = arith.cmpi ne, %convert_element_type3A_307, %cond3A_308 : i32
          scf.if %cond3A_309 {
            %dma_wait3A = arith.constant 0 : i32
            %dma_wait3A_359 = arith.constant 0 : i32
            %dma_wait3A_360 = tpu.memref_slice %arg12[%dma_wait3A, %dma_wait3A_359] : memref<128x64xf32, #tpu.memory_space<vmem>> -> memref<1x64xf32, #tpu.memory_space<vmem>>
            %dma_wait3A_361 = tpu.memref_squeeze %dma_wait3A_360 : memref<1x64xf32, #tpu.memory_space<vmem>> -> memref<64xf32, #tpu.memory_space<vmem>>
            %dma_wait3A_362 = arith.constant 0 : i32
            %dma_wait3A_363 = tpu.memref_slice %arg6[%dma_wait3A_362] : memref<1048576xf32, #tpu.memory_space<hbm>> -> memref<64xf32, #tpu.memory_space<hbm>>
            %dma_wait3A_364 = arith.constant 0 : i32
            %dma_wait3A_365 = tpu.memref_slice %arg6[%dma_wait3A_364] : memref<1048576xf32, #tpu.memory_space<hbm>> -> memref<64xf32, #tpu.memory_space<hbm>>
            %dma_wait3A_366 = arith.constant 0 : i32
            %dma_wait3A_367 = tpu.memref_slice %arg12[%dma_wait3A, %dma_wait3A_366] : memref<128x64xf32, #tpu.memory_space<vmem>> -> memref<1x64xf32, #tpu.memory_space<vmem>>
            %dma_wait3A_368 = tpu.memref_squeeze %dma_wait3A_367 : memref<1x64xf32, #tpu.memory_space<vmem>> -> memref<64xf32, #tpu.memory_space<vmem>>
            tpu.wait_dma2 semaphore(%arg19 : memref<!tpu.dma_semaphore, #tpu.memory_space<semaphore_mem>>) src(%dma_wait3A_368 : memref<64xf32, #tpu.memory_space<vmem>>) dst(%dma_wait3A_365 : memref<64xf32, #tpu.memory_space<hbm>>)
          } else {
          }
          %sub3A_310 = vector.broadcast %mul3A_272 : f32 to vector<16xf32>
          %sub3A_311 = arith.subf %gather3A_255, %sub3A_310 : vector<16xf32>
          %mul3A_312 = vector.broadcast %mul3A_302 : f32 to vector<16xf32>
          %mul3A_313 = arith.mulf %mul3A_312, %get3A_71 : vector<16xf32>
          %mul3A_314 = arith.mulf %sub3A_311, %mul3A_313 : vector<16xf32>
          %add3A_315 = arith.addf %mul3A_314, %get3A_79 : vector<16xf32>
          %swap3A_316 = arith.index_cast %rem3A_304 : i32 to index
          %swap3A_317 = arith.constant 0 : index
          %swap3A_318 = tpu.vector_load %arg12[%swap3A_316, %swap3A_317] {strides = array<i32>} : memref<128x64xf32, #tpu.memory_space<vmem>>, vector<16xf32>,
          tpu.vector_store %arg12[%swap3A_316, %swap3A_317], %add3A_315 {strides = array<i32>} : memref<128x64xf32, #tpu.memory_space<vmem>>, vector<16xf32>,
          %sub3A_319 = vector.broadcast %mul3A_272 : f32 to vector<16xf32>
          %sub3A_320 = arith.subf %gather3A_256, %sub3A_319 : vector<16xf32>
          %mul3A_321 = vector.broadcast %mul3A_302 : f32 to vector<16xf32>
          %mul3A_322 = arith.mulf %mul3A_321, %get3A_73 : vector<16xf32>
          %mul3A_323 = arith.mulf %sub3A_320, %mul3A_322 : vector<16xf32>
          %add3A_324 = arith.addf %mul3A_323, %get3A_81 : vector<16xf32>
          %swap3A_325 = arith.index_cast %rem3A_304 : i32 to index
          %swap3A_326 = arith.constant 16 : index
          %swap3A_327 = tpu.vector_load %arg12[%swap3A_325, %swap3A_326] {strides = array<i32>} : memref<128x64xf32, #tpu.memory_space<vmem>>, vector<16xf32>,
          tpu.vector_store %arg12[%swap3A_325, %swap3A_326], %add3A_324 {strides = array<i32>} : memref<128x64xf32, #tpu.memory_space<vmem>>, vector<16xf32>,
          %sub3A_328 = vector.broadcast %mul3A_272 : f32 to vector<16xf32>
          %sub3A_329 = arith.subf %gather3A_257, %sub3A_328 : vector<16xf32>
          %mul3A_330 = vector.broadcast %mul3A_302 : f32 to vector<16xf32>
          %mul3A_331 = arith.mulf %mul3A_330, %get3A_75 : vector<16xf32>
          %mul3A_332 = arith.mulf %sub3A_329, %mul3A_331 : vector<16xf32>
          %add3A_333 = arith.addf %mul3A_332, %get3A_83 : vector<16xf32>
          %swap3A_334 = arith.index_cast %rem3A_304 : i32 to index
          %swap3A_335 = arith.constant 32 : index
          %swap3A_336 = tpu.vector_load %arg12[%swap3A_334, %swap3A_335] {strides = array<i32>} : memref<128x64xf32, #tpu.memory_space<vmem>>, vector<16xf32>,
          tpu.vector_store %arg12[%swap3A_334, %swap3A_335], %add3A_333 {strides = array<i32>} : memref<128x64xf32, #tpu.memory_space<vmem>>, vector<16xf32>,
          %sub3A_337 = vector.broadcast %mul3A_272 : f32 to vector<16xf32>
          %sub3A_338 = arith.subf %gather3A_258, %sub3A_337 : vector<16xf32>
          %mul3A_339 = vector.broadcast %mul3A_302 : f32 to vector<16xf32>
          %mul3A_340 = arith.mulf %mul3A_339, %get3A_77 : vector<16xf32>
          %mul3A_341 = arith.mulf %sub3A_338, %mul3A_340 : vector<16xf32>
          %add3A_342 = arith.addf %mul3A_341, %get3A_85 : vector<16xf32>
          %swap3A_343 = arith.index_cast %rem3A_304 : i32 to index
          %swap3A_344 = arith.constant 48 : index
          %swap3A_345 = tpu.vector_load %arg12[%swap3A_343, %swap3A_344] {strides = array<i32>} : memref<128x64xf32, #tpu.memory_space<vmem>>, vector<16xf32>,
          tpu.vector_store %arg12[%swap3A_343, %swap3A_344], %add3A_342 {strides = array<i32>} : memref<128x64xf32, #tpu.memory_space<vmem>>, vector<16xf32>,
          %slice3A_346 = vector.extract_strided_slice %gather3A_252 {offsets = [0], sizes = [1], strides = [1]} : vector<16xi32> to vector<1xi32>
          %squeeze3A_347 = vector.extract %slice3A_346[0] : i32 from vector<1xi32>
          %mul3A_348 = arith.constant 64 : i32
          %mul3A_349 = arith.muli %squeeze3A_347, %mul3A_348 : i32
          %dma_start3A = arith.constant 0 : i32
          %dma_start3A_350 = tpu.memref_slice %arg12[%rem3A_304, %dma_start3A] : memref<128x64xf32, #tpu.memory_space<vmem>> -> memref<1x64xf32, #tpu.memory_space<vmem>>
          %dma_start3A_351 = tpu.memref_squeeze %dma_start3A_350 : memref<1x64xf32, #tpu.memory_space<vmem>> -> memref<64xf32, #tpu.memory_space<vmem>>
          %dma_start3A_352 = tpu.memref_slice %arg6[%mul3A_349] : memref<1048576xf32, #tpu.memory_space<hbm>> -> memref<64xf32, #tpu.memory_space<hbm>>
          %dma_start3A_353 = tpu.memref_slice %arg6[%mul3A_349] : memref<1048576xf32, #tpu.memory_space<hbm>> -> memref<64xf32, #tpu.memory_space<hbm>>
          %dma_start3A_354 = arith.constant 0 : i32
          %dma_start3A_355 = tpu.memref_slice %arg12[%rem3A_304, %dma_start3A_354] : memref<128x64xf32, #tpu.memory_space<vmem>> -> memref<1x64xf32, #tpu.memory_space<vmem>>
          %dma_start3A_356 = tpu.memref_squeeze %dma_start3A_355 : memref<1x64xf32, #tpu.memory_space<vmem>> -> memref<64xf32, #tpu.memory_space<vmem>>
          tpu.enqueue_dma source(%dma_start3A_356 : memref<64xf32, #tpu.memory_space<vmem>>) target(%dma_start3A_353 : memref<64xf32, #tpu.memory_space<hbm>>) target_semaphore(%arg19 : memref<!tpu.dma_semaphore, #tpu.memory_space<semaphore_mem>>)
          %add3A_357 = arith.constant 1 : i32
          %add3A_358 = arith.addi %while3A_251, %add3A_357 : i32
          scf.yield %add3A_358 : i32
        }
        %while3A_248 = arith.constant 1 : i32
        %while3A_249 = scf.for %while3A_250 = %while3A_245 to %while3A_241 step %while3A_248 iter_args(%while3A_251 = %while3A_247) -> (i32)  : i32 {
          %broadcast_in_dim3A = vector.broadcast %while3A_250 : i32 to vector<16xi32>
          %gather3A = tpu.vector_load_idx %arg13[%broadcast_in_dim3A] : memref<16xi32, #tpu.memory_space<vmem>>[vector<16xi32>], vector<16xi32>,
          %gather3A_252 = tpu.vector_load_idx %arg14[%broadcast_in_dim3A] : memref<16xi32, #tpu.memory_space<vmem>>[vector<16xi32>], vector<16xi32>,
          %sub3A_253 = vector.broadcast %mul3A_139 : i32 to vector<16xi32>
          %sub3A_254 = arith.subi %gather3A, %sub3A_253 : vector<16xi32>
          %gather3A_255 = tpu.vector_load_idx %arg10[%add3A_88, %sub3A_254] : memref<64x512xf32, #tpu.memory_space<vmem>>[vector<16xi32>, vector<16xi32>], vector<16xf32>,
          %gather3A_256 = tpu.vector_load_idx %arg10[%add3A_91, %sub3A_254] : memref<64x512xf32, #tpu.memory_space<vmem>>[vector<16xi32>, vector<16xi32>], vector<16xf32>,
          %gather3A_257 = tpu.vector_load_idx %arg10[%add3A_94, %sub3A_254] : memref<64x512xf32, #tpu.memory_space<vmem>>[vector<16xi32>, vector<16xi32>], vector<16xf32>,
          %gather3A_258 = tpu.vector_load_idx %arg10[%add3A_97, %sub3A_254] : memref<64x512xf32, #tpu.memory_space<vmem>>[vector<16xi32>, vector<16xi32>], vector<16xf32>,
          %add3A_259 = arith.addf %gather3A_255, %gather3A_256 : vector<16xf32>
          %add3A_260 = arith.addf %gather3A_257, %gather3A_258 : vector<16xf32>
          %add3A_261 = arith.addf %add3A_259, %add3A_260 : vector<16xf32>
          %mul3A_262 = arith.mulf %gather3A_255, %gather3A_255 : vector<16xf32>
          %mul3A_263 = arith.mulf %gather3A_256, %gather3A_256 : vector<16xf32>
          %add3A_264 = arith.addf %mul3A_262, %mul3A_263 : vector<16xf32>
          %mul3A_265 = arith.mulf %gather3A_257, %gather3A_257 : vector<16xf32>
          %mul3A_266 = arith.mulf %gather3A_258, %gather3A_258 : vector<16xf32>
          %add3A_267 = arith.addf %mul3A_265, %mul3A_266 : vector<16xf32>
          %add3A_268 = arith.addf %add3A_264, %add3A_267 : vector<16xf32>
          %reduce_sum3A = arith.constant true
          %reduce_sum3A_269 = vector.broadcast %reduce_sum3A : i1 to vector<16xi1>
          %reduce_sum3A_270 = tpu.scan <sum>, %add3A_261 masked %reduce_sum3A_269 : vector<16xf32>, vector<16xi1> -> vector<16xf32>
          %reduce_sum3A_271 = vector.extract %reduce_sum3A_270[15] : f32 from vector<16xf32>
          %mul3A_272 = arith.mulf %reduce_sum3A_271, %scan3A_98 : f32
          %reduce_sum3A_273 = arith.constant true
          %reduce_sum3A_274 = vector.broadcast %reduce_sum3A_273 : i1 to vector<16xi1>
          %reduce_sum3A_275 = tpu.scan <sum>, %add3A_268 masked %reduce_sum3A_274 : vector<16xf32>, vector<16xi1> -> vector<16xf32>
          %reduce_sum3A_276 = vector.extract %reduce_sum3A_275[15] : f32 from vector<16xf32>
          %mul3A_277 = arith.mulf %reduce_sum3A_276, %scan3A_98 : f32
          %mul3A_278 = arith.mulf %mul3A_272, %mul3A_272 : f32
          %sub3A_279 = arith.subf %mul3A_277, %mul3A_278 : f32
          %add3A_280 = arith.constant 9.99999974E-6 : f32
          %add3A_281 = arith.addf %sub3A_279, %add3A_280 : f32
          %bitcast_convert_type3A = arith.bitcast %add3A_281 : f32 to i32
          %shift_right_arithmetic3A = arith.constant 1 : i32
          %shift_right_arithmetic3A_282 = arith.shrsi %bitcast_convert_type3A, %shift_right_arithmetic3A : i32
          %sub3A_283 = arith.constant 1597463007 : i32
          %sub3A_284 = arith.subi %sub3A_283, %shift_right_arithmetic3A_282 : i32
          %bitcast_convert_type3A_285 = arith.bitcast %sub3A_284 : i32 to f32
          %mul3A_286 = arith.constant 5.000000e-01 : f32
          %mul3A_287 = arith.mulf %mul3A_286, %add3A_281 : f32
          %mul3A_288 = arith.mulf %mul3A_287, %bitcast_convert_type3A_285 : f32
          %mul3A_289 = arith.mulf %mul3A_288, %bitcast_convert_type3A_285 : f32
          %sub3A_290 = arith.constant 1.500000e+00 : f32
          %sub3A_291 = arith.subf %sub3A_290, %mul3A_289 : f32
          %mul3A_292 = arith.mulf %bitcast_convert_type3A_285, %sub3A_291 : f32
          %mul3A_293 = arith.mulf %mul3A_287, %mul3A_292 : f32
          %mul3A_294 = arith.mulf %mul3A_293, %mul3A_292 : f32
          %sub3A_295 = arith.constant 1.500000e+00 : f32
          %sub3A_296 = arith.subf %sub3A_295, %mul3A_294 : f32
          %mul3A_297 = arith.mulf %mul3A_292, %sub3A_296 : f32
          %mul3A_298 = arith.mulf %mul3A_287, %mul3A_297 : f32
          %mul3A_299 = arith.mulf %mul3A_298, %mul3A_297 : f32
          %sub3A_300 = arith.constant 1.500000e+00 : f32
          %sub3A_301 = arith.subf %sub3A_300, %mul3A_299 : f32
          %mul3A_302 = arith.mulf %mul3A_297, %sub3A_301 : f32
          %rem3A_303 = arith.constant 128 : i32
          %rem3A_304 = arith.remsi %while3A_251, %rem3A_303 : i32
          %ge3A_305 = arith.constant 128 : i32
          %ge3A_306 = arith.cmpi sge, %while3A_251, %ge3A_305 : i32
          %convert_element_type3A_307 = arith.extui %ge3A_306 : i1 to i32
          %cond3A_308 = arith.constant 0 : i32
          %cond3A_309 = arith.cmpi ne, %convert_element_type3A_307, %cond3A_308 : i32
          scf.if %cond3A_309 {
            %dma_wait3A = arith.constant 0 : i32
            %dma_wait3A_359 = arith.constant 0 : i32
            %dma_wait3A_360 = tpu.memref_slice %arg12[%dma_wait3A, %dma_wait3A_359] : memref<128x64xf32, #tpu.memory_space<vmem>> -> memref<1x64xf32, #tpu.memory_space<vmem>>
            %dma_wait3A_361 = tpu.memref_squeeze %dma_wait3A_360 : memref<1x64xf32, #tpu.memory_space<vmem>> -> memref<64xf32, #tpu.memory_space<vmem>>
            %dma_wait3A_362 = arith.constant 0 : i32
            %dma_wait3A_363 = tpu.memref_slice %arg6[%dma_wait3A_362] : memref<1048576xf32, #tpu.memory_space<hbm>> -> memref<64xf32, #tpu.memory_space<hbm>>
            %dma_wait3A_364 = arith.constant 0 : i32
            %dma_wait3A_365 = tpu.memref_slice %arg6[%dma_wait3A_364] : memref<1048576xf32, #tpu.memory_space<hbm>> -> memref<64xf32, #tpu.memory_space<hbm>>
            %dma_wait3A_366 = arith.constant 0 : i32
            %dma_wait3A_367 = tpu.memref_slice %arg12[%dma_wait3A, %dma_wait3A_366] : memref<128x64xf32, #tpu.memory_space<vmem>> -> memref<1x64xf32, #tpu.memory_space<vmem>>
            %dma_wait3A_368 = tpu.memref_squeeze %dma_wait3A_367 : memref<1x64xf32, #tpu.memory_space<vmem>> -> memref<64xf32, #tpu.memory_space<vmem>>
            tpu.wait_dma2 semaphore(%arg19 : memref<!tpu.dma_semaphore, #tpu.memory_space<semaphore_mem>>) src(%dma_wait3A_368 : memref<64xf32, #tpu.memory_space<vmem>>) dst(%dma_wait3A_365 : memref<64xf32, #tpu.memory_space<hbm>>)
          } else {
          }
          %sub3A_310 = vector.broadcast %mul3A_272 : f32 to vector<16xf32>
          %sub3A_311 = arith.subf %gather3A_255, %sub3A_310 : vector<16xf32>
          %mul3A_312 = vector.broadcast %mul3A_302 : f32 to vector<16xf32>
          %mul3A_313 = arith.mulf %mul3A_312, %get3A_71 : vector<16xf32>
          %mul3A_314 = arith.mulf %sub3A_311, %mul3A_313 : vector<16xf32>
          %add3A_315 = arith.addf %mul3A_314, %get3A_79 : vector<16xf32>
          %swap3A_316 = arith.index_cast %rem3A_304 : i32 to index
          %swap3A_317 = arith.constant 0 : index
          %swap3A_318 = tpu.vector_load %arg12[%swap3A_316, %swap3A_317] {strides = array<i32>} : memref<128x64xf32, #tpu.memory_space<vmem>>, vector<16xf32>,
          tpu.vector_store %arg12[%swap3A_316, %swap3A_317], %add3A_315 {strides = array<i32>} : memref<128x64xf32, #tpu.memory_space<vmem>>, vector<16xf32>,
          %sub3A_319 = vector.broadcast %mul3A_272 : f32 to vector<16xf32>
          %sub3A_320 = arith.subf %gather3A_256, %sub3A_319 : vector<16xf32>
          %mul3A_321 = vector.broadcast %mul3A_302 : f32 to vector<16xf32>
          %mul3A_322 = arith.mulf %mul3A_321, %get3A_73 : vector<16xf32>
          %mul3A_323 = arith.mulf %sub3A_320, %mul3A_322 : vector<16xf32>
          %add3A_324 = arith.addf %mul3A_323, %get3A_81 : vector<16xf32>
          %swap3A_325 = arith.index_cast %rem3A_304 : i32 to index
          %swap3A_326 = arith.constant 16 : index
          %swap3A_327 = tpu.vector_load %arg12[%swap3A_325, %swap3A_326] {strides = array<i32>} : memref<128x64xf32, #tpu.memory_space<vmem>>, vector<16xf32>,
          tpu.vector_store %arg12[%swap3A_325, %swap3A_326], %add3A_324 {strides = array<i32>} : memref<128x64xf32, #tpu.memory_space<vmem>>, vector<16xf32>,
          %sub3A_328 = vector.broadcast %mul3A_272 : f32 to vector<16xf32>
          %sub3A_329 = arith.subf %gather3A_257, %sub3A_328 : vector<16xf32>
          %mul3A_330 = vector.broadcast %mul3A_302 : f32 to vector<16xf32>
          %mul3A_331 = arith.mulf %mul3A_330, %get3A_75 : vector<16xf32>
          %mul3A_332 = arith.mulf %sub3A_329, %mul3A_331 : vector<16xf32>
          %add3A_333 = arith.addf %mul3A_332, %get3A_83 : vector<16xf32>
          %swap3A_334 = arith.index_cast %rem3A_304 : i32 to index
          %swap3A_335 = arith.constant 32 : index
          %swap3A_336 = tpu.vector_load %arg12[%swap3A_334, %swap3A_335] {strides = array<i32>} : memref<128x64xf32, #tpu.memory_space<vmem>>, vector<16xf32>,
          tpu.vector_store %arg12[%swap3A_334, %swap3A_335], %add3A_333 {strides = array<i32>} : memref<128x64xf32, #tpu.memory_space<vmem>>, vector<16xf32>,
          %sub3A_337 = vector.broadcast %mul3A_272 : f32 to vector<16xf32>
          %sub3A_338 = arith.subf %gather3A_258, %sub3A_337 : vector<16xf32>
          %mul3A_339 = vector.broadcast %mul3A_302 : f32 to vector<16xf32>
          %mul3A_340 = arith.mulf %mul3A_339, %get3A_77 : vector<16xf32>
          %mul3A_341 = arith.mulf %sub3A_338, %mul3A_340 : vector<16xf32>
          %add3A_342 = arith.addf %mul3A_341, %get3A_85 : vector<16xf32>
          %swap3A_343 = arith.index_cast %rem3A_304 : i32 to index
          %swap3A_344 = arith.constant 48 : index
          %swap3A_345 = tpu.vector_load %arg12[%swap3A_343, %swap3A_344] {strides = array<i32>} : memref<128x64xf32, #tpu.memory_space<vmem>>, vector<16xf32>,
          tpu.vector_store %arg12[%swap3A_343, %swap3A_344], %add3A_342 {strides = array<i32>} : memref<128x64xf32, #tpu.memory_space<vmem>>, vector<16xf32>,
          %slice3A_346 = vector.extract_strided_slice %gather3A_252 {offsets = [0], sizes = [1], strides = [1]} : vector<16xi32> to vector<1xi32>
          %squeeze3A_347 = vector.extract %slice3A_346[0] : i32 from vector<1xi32>
          %mul3A_348 = arith.constant 64 : i32
          %mul3A_349 = arith.muli %squeeze3A_347, %mul3A_348 : i32
          %dma_start3A = arith.constant 0 : i32
          %dma_start3A_350 = tpu.memref_slice %arg12[%rem3A_304, %dma_start3A] : memref<128x64xf32, #tpu.memory_space<vmem>> -> memref<1x64xf32, #tpu.memory_space<vmem>>
          %dma_start3A_351 = tpu.memref_squeeze %dma_start3A_350 : memref<1x64xf32, #tpu.memory_space<vmem>> -> memref<64xf32, #tpu.memory_space<vmem>>
          %dma_start3A_352 = tpu.memref_slice %arg6[%mul3A_349] : memref<1048576xf32, #tpu.memory_space<hbm>> -> memref<64xf32, #tpu.memory_space<hbm>>
          %dma_start3A_353 = tpu.memref_slice %arg6[%mul3A_349] : memref<1048576xf32, #tpu.memory_space<hbm>> -> memref<64xf32, #tpu.memory_space<hbm>>
          %dma_start3A_354 = arith.constant 0 : i32
          %dma_start3A_355 = tpu.memref_slice %arg12[%rem3A_304, %dma_start3A_354] : memref<128x64xf32, #tpu.memory_space<vmem>> -> memref<1x64xf32, #tpu.memory_space<vmem>>
          %dma_start3A_356 = tpu.memref_squeeze %dma_start3A_355 : memref<1x64xf32, #tpu.memory_space<vmem>> -> memref<64xf32, #tpu.memory_space<vmem>>
          tpu.enqueue_dma source(%dma_start3A_356 : memref<64xf32, #tpu.memory_space<vmem>>) target(%dma_start3A_353 : memref<64xf32, #tpu.memory_space<hbm>>) target_semaphore(%arg19 : memref<!tpu.dma_semaphore, #tpu.memory_space<semaphore_mem>>)
          %add3A_357 = arith.constant 1 : i32
          %add3A_358 = arith.addi %while3A_251, %add3A_357 : i32
          scf.yield %add3A_358 : i32
        }
        scf.yield %while3A_249 : i32
      }
      %while3A_153 = arith.constant 1 : i32
      %while3A_154 = scf.for %while3A_222 = %while3A_150 to %while3A_146 step %while3A_153 iter_args(%while3A_223 = %while3A_152) -> (i32)  : i32 {
        %mul3A_224 = arith.constant 16 : i32
        %mul3A_225 = arith.muli %while3A_222, %mul3A_224 : i32
        %get3A_226 = arith.index_cast %mul3A_225 : i32 to index
        %get3A_227 = tpu.vector_load %arg8[%get3A_226] {strides = array<i32>} : memref<4096xi32, #tpu.memory_space<vmem>>, vector<16xi32>,
        %mul3A_228 = arith.constant 16 : i32
        %mul3A_229 = arith.muli %while3A_222, %mul3A_228 : i32
        %get3A_230 = arith.index_cast %mul3A_229 : i32 to index
        %get3A_231 = tpu.vector_load %arg9[%get3A_230] {strides = array<i32>} : memref<4096xi32, #tpu.memory_space<vmem>>, vector<16xi32>,
        %ge3A = vector.broadcast %mul3A_139 : i32 to vector<16xi32>
        %ge3A_232 = arith.cmpi sge, %get3A_227, %ge3A : vector<16xi32>
        %lt3A_233 = vector.broadcast %add3A_141 : i32 to vector<16xi32>
        %lt3A_234 = arith.cmpi slt, %get3A_227, %lt3A_233 : vector<16xi32>
        %and3A_235 = arith.andi %ge3A_232, %lt3A_234 : vector<16xi1>
        %swap3A = arith.constant 0 : index
        %swap3A_236 = tpu.vector_load %arg13[%swap3A] masked %and3A_235 {strides = array<i32>} : memref<16xi32, #tpu.memory_space<vmem>>, vector<16xi32>, vector<16xi1>
        tpu.vector_store %arg13[%swap3A], %get3A_227 masked %and3A_235 {strides = array<i32>} : memref<16xi32, #tpu.memory_space<vmem>>, vector<16xi32>, vector<16xi1>
        %swap3A_237 = arith.constant 0 : index
        %swap3A_238 = tpu.vector_load %arg14[%swap3A_237] masked %and3A_235 {strides = array<i32>} : memref<16xi32, #tpu.memory_space<vmem>>, vector<16xi32>, vector<16xi1>
        tpu.vector_store %arg14[%swap3A_237], %get3A_231 masked %and3A_235 {strides = array<i32>} : memref<16xi32, #tpu.memory_space<vmem>>, vector<16xi32>, vector<16xi1>
        %all_reduce_population_count3A = tpu.all_reduce %and3A_235 {dim = 0 : i64, kind = #tpu.reduction_kind<sum>} : vector<16xi1> -> vector<16xi32>
        %slice3A = vector.extract_strided_slice %all_reduce_population_count3A {offsets = [0], sizes = [1], strides = [1]} : vector<16xi32> to vector<1xi32>
        %squeeze3A = vector.extract %slice3A[0] : i32 from vector<1xi32>
        %while3A_239 = arith.constant 0 : i32
        %while3A_240 = arith.subi %squeeze3A, %while3A_239 : i32
        %while3A_241 = arith.addi %while3A_239, %while3A_240 : i32
        %while3A_242 = arith.constant 1 : i32
        %while3A_243 = arith.divsi %while3A_240, %while3A_242 : i32
        %while3A_244 = arith.muli %while3A_243, %while3A_242 : i32
        %while3A_245 = arith.addi %while3A_239, %while3A_244 : i32
        %while3A_246 = arith.constant 1 : i32
        %while3A_247 = scf.for %while3A_250 = %while3A_239 to %while3A_245 step %while3A_246 iter_args(%while3A_251 = %while3A_223) -> (i32)  : i32 {
          %broadcast_in_dim3A = vector.broadcast %while3A_250 : i32 to vector<16xi32>
          %gather3A = tpu.vector_load_idx %arg13[%broadcast_in_dim3A] : memref<16xi32, #tpu.memory_space<vmem>>[vector<16xi32>], vector<16xi32>,
          %gather3A_252 = tpu.vector_load_idx %arg14[%broadcast_in_dim3A] : memref<16xi32, #tpu.memory_space<vmem>>[vector<16xi32>], vector<16xi32>,
          %sub3A_253 = vector.broadcast %mul3A_139 : i32 to vector<16xi32>
          %sub3A_254 = arith.subi %gather3A, %sub3A_253 : vector<16xi32>
          %gather3A_255 = tpu.vector_load_idx %arg10[%add3A_88, %sub3A_254] : memref<64x512xf32, #tpu.memory_space<vmem>>[vector<16xi32>, vector<16xi32>], vector<16xf32>,
          %gather3A_256 = tpu.vector_load_idx %arg10[%add3A_91, %sub3A_254] : memref<64x512xf32, #tpu.memory_space<vmem>>[vector<16xi32>, vector<16xi32>], vector<16xf32>,
          %gather3A_257 = tpu.vector_load_idx %arg10[%add3A_94, %sub3A_254] : memref<64x512xf32, #tpu.memory_space<vmem>>[vector<16xi32>, vector<16xi32>], vector<16xf32>,
          %gather3A_258 = tpu.vector_load_idx %arg10[%add3A_97, %sub3A_254] : memref<64x512xf32, #tpu.memory_space<vmem>>[vector<16xi32>, vector<16xi32>], vector<16xf32>,
          %add3A_259 = arith.addf %gather3A_255, %gather3A_256 : vector<16xf32>
          %add3A_260 = arith.addf %gather3A_257, %gather3A_258 : vector<16xf32>
          %add3A_261 = arith.addf %add3A_259, %add3A_260 : vector<16xf32>
          %mul3A_262 = arith.mulf %gather3A_255, %gather3A_255 : vector<16xf32>
          %mul3A_263 = arith.mulf %gather3A_256, %gather3A_256 : vector<16xf32>
          %add3A_264 = arith.addf %mul3A_262, %mul3A_263 : vector<16xf32>
          %mul3A_265 = arith.mulf %gather3A_257, %gather3A_257 : vector<16xf32>
          %mul3A_266 = arith.mulf %gather3A_258, %gather3A_258 : vector<16xf32>
          %add3A_267 = arith.addf %mul3A_265, %mul3A_266 : vector<16xf32>
          %add3A_268 = arith.addf %add3A_264, %add3A_267 : vector<16xf32>
          %reduce_sum3A = arith.constant true
          %reduce_sum3A_269 = vector.broadcast %reduce_sum3A : i1 to vector<16xi1>
          %reduce_sum3A_270 = tpu.scan <sum>, %add3A_261 masked %reduce_sum3A_269 : vector<16xf32>, vector<16xi1> -> vector<16xf32>
          %reduce_sum3A_271 = vector.extract %reduce_sum3A_270[15] : f32 from vector<16xf32>
          %mul3A_272 = arith.mulf %reduce_sum3A_271, %scan3A_98 : f32
          %reduce_sum3A_273 = arith.constant true
          %reduce_sum3A_274 = vector.broadcast %reduce_sum3A_273 : i1 to vector<16xi1>
          %reduce_sum3A_275 = tpu.scan <sum>, %add3A_268 masked %reduce_sum3A_274 : vector<16xf32>, vector<16xi1> -> vector<16xf32>
          %reduce_sum3A_276 = vector.extract %reduce_sum3A_275[15] : f32 from vector<16xf32>
          %mul3A_277 = arith.mulf %reduce_sum3A_276, %scan3A_98 : f32
          %mul3A_278 = arith.mulf %mul3A_272, %mul3A_272 : f32
          %sub3A_279 = arith.subf %mul3A_277, %mul3A_278 : f32
          %add3A_280 = arith.constant 9.99999974E-6 : f32
          %add3A_281 = arith.addf %sub3A_279, %add3A_280 : f32
          %bitcast_convert_type3A = arith.bitcast %add3A_281 : f32 to i32
          %shift_right_arithmetic3A = arith.constant 1 : i32
          %shift_right_arithmetic3A_282 = arith.shrsi %bitcast_convert_type3A, %shift_right_arithmetic3A : i32
          %sub3A_283 = arith.constant 1597463007 : i32
          %sub3A_284 = arith.subi %sub3A_283, %shift_right_arithmetic3A_282 : i32
          %bitcast_convert_type3A_285 = arith.bitcast %sub3A_284 : i32 to f32
          %mul3A_286 = arith.constant 5.000000e-01 : f32
          %mul3A_287 = arith.mulf %mul3A_286, %add3A_281 : f32
          %mul3A_288 = arith.mulf %mul3A_287, %bitcast_convert_type3A_285 : f32
          %mul3A_289 = arith.mulf %mul3A_288, %bitcast_convert_type3A_285 : f32
          %sub3A_290 = arith.constant 1.500000e+00 : f32
          %sub3A_291 = arith.subf %sub3A_290, %mul3A_289 : f32
          %mul3A_292 = arith.mulf %bitcast_convert_type3A_285, %sub3A_291 : f32
          %mul3A_293 = arith.mulf %mul3A_287, %mul3A_292 : f32
          %mul3A_294 = arith.mulf %mul3A_293, %mul3A_292 : f32
          %sub3A_295 = arith.constant 1.500000e+00 : f32
          %sub3A_296 = arith.subf %sub3A_295, %mul3A_294 : f32
          %mul3A_297 = arith.mulf %mul3A_292, %sub3A_296 : f32
          %mul3A_298 = arith.mulf %mul3A_287, %mul3A_297 : f32
          %mul3A_299 = arith.mulf %mul3A_298, %mul3A_297 : f32
          %sub3A_300 = arith.constant 1.500000e+00 : f32
          %sub3A_301 = arith.subf %sub3A_300, %mul3A_299 : f32
          %mul3A_302 = arith.mulf %mul3A_297, %sub3A_301 : f32
          %rem3A_303 = arith.constant 128 : i32
          %rem3A_304 = arith.remsi %while3A_251, %rem3A_303 : i32
          %ge3A_305 = arith.constant 128 : i32
          %ge3A_306 = arith.cmpi sge, %while3A_251, %ge3A_305 : i32
          %convert_element_type3A_307 = arith.extui %ge3A_306 : i1 to i32
          %cond3A_308 = arith.constant 0 : i32
          %cond3A_309 = arith.cmpi ne, %convert_element_type3A_307, %cond3A_308 : i32
          scf.if %cond3A_309 {
            %dma_wait3A = arith.constant 0 : i32
            %dma_wait3A_359 = arith.constant 0 : i32
            %dma_wait3A_360 = tpu.memref_slice %arg12[%dma_wait3A, %dma_wait3A_359] : memref<128x64xf32, #tpu.memory_space<vmem>> -> memref<1x64xf32, #tpu.memory_space<vmem>>
            %dma_wait3A_361 = tpu.memref_squeeze %dma_wait3A_360 : memref<1x64xf32, #tpu.memory_space<vmem>> -> memref<64xf32, #tpu.memory_space<vmem>>
            %dma_wait3A_362 = arith.constant 0 : i32
            %dma_wait3A_363 = tpu.memref_slice %arg6[%dma_wait3A_362] : memref<1048576xf32, #tpu.memory_space<hbm>> -> memref<64xf32, #tpu.memory_space<hbm>>
            %dma_wait3A_364 = arith.constant 0 : i32
            %dma_wait3A_365 = tpu.memref_slice %arg6[%dma_wait3A_364] : memref<1048576xf32, #tpu.memory_space<hbm>> -> memref<64xf32, #tpu.memory_space<hbm>>
            %dma_wait3A_366 = arith.constant 0 : i32
            %dma_wait3A_367 = tpu.memref_slice %arg12[%dma_wait3A, %dma_wait3A_366] : memref<128x64xf32, #tpu.memory_space<vmem>> -> memref<1x64xf32, #tpu.memory_space<vmem>>
            %dma_wait3A_368 = tpu.memref_squeeze %dma_wait3A_367 : memref<1x64xf32, #tpu.memory_space<vmem>> -> memref<64xf32, #tpu.memory_space<vmem>>
            tpu.wait_dma2 semaphore(%arg19 : memref<!tpu.dma_semaphore, #tpu.memory_space<semaphore_mem>>) src(%dma_wait3A_368 : memref<64xf32, #tpu.memory_space<vmem>>) dst(%dma_wait3A_365 : memref<64xf32, #tpu.memory_space<hbm>>)
          } else {
          }
          %sub3A_310 = vector.broadcast %mul3A_272 : f32 to vector<16xf32>
          %sub3A_311 = arith.subf %gather3A_255, %sub3A_310 : vector<16xf32>
          %mul3A_312 = vector.broadcast %mul3A_302 : f32 to vector<16xf32>
          %mul3A_313 = arith.mulf %mul3A_312, %get3A_71 : vector<16xf32>
          %mul3A_314 = arith.mulf %sub3A_311, %mul3A_313 : vector<16xf32>
          %add3A_315 = arith.addf %mul3A_314, %get3A_79 : vector<16xf32>
          %swap3A_316 = arith.index_cast %rem3A_304 : i32 to index
          %swap3A_317 = arith.constant 0 : index
          %swap3A_318 = tpu.vector_load %arg12[%swap3A_316, %swap3A_317] {strides = array<i32>} : memref<128x64xf32, #tpu.memory_space<vmem>>, vector<16xf32>,
          tpu.vector_store %arg12[%swap3A_316, %swap3A_317], %add3A_315 {strides = array<i32>} : memref<128x64xf32, #tpu.memory_space<vmem>>, vector<16xf32>,
          %sub3A_319 = vector.broadcast %mul3A_272 : f32 to vector<16xf32>
          %sub3A_320 = arith.subf %gather3A_256, %sub3A_319 : vector<16xf32>
          %mul3A_321 = vector.broadcast %mul3A_302 : f32 to vector<16xf32>
          %mul3A_322 = arith.mulf %mul3A_321, %get3A_73 : vector<16xf32>
          %mul3A_323 = arith.mulf %sub3A_320, %mul3A_322 : vector<16xf32>
          %add3A_324 = arith.addf %mul3A_323, %get3A_81 : vector<16xf32>
          %swap3A_325 = arith.index_cast %rem3A_304 : i32 to index
          %swap3A_326 = arith.constant 16 : index
          %swap3A_327 = tpu.vector_load %arg12[%swap3A_325, %swap3A_326] {strides = array<i32>} : memref<128x64xf32, #tpu.memory_space<vmem>>, vector<16xf32>,
          tpu.vector_store %arg12[%swap3A_325, %swap3A_326], %add3A_324 {strides = array<i32>} : memref<128x64xf32, #tpu.memory_space<vmem>>, vector<16xf32>,
          %sub3A_328 = vector.broadcast %mul3A_272 : f32 to vector<16xf32>
          %sub3A_329 = arith.subf %gather3A_257, %sub3A_328 : vector<16xf32>
          %mul3A_330 = vector.broadcast %mul3A_302 : f32 to vector<16xf32>
          %mul3A_331 = arith.mulf %mul3A_330, %get3A_75 : vector<16xf32>
          %mul3A_332 = arith.mulf %sub3A_329, %mul3A_331 : vector<16xf32>
          %add3A_333 = arith.addf %mul3A_332, %get3A_83 : vector<16xf32>
          %swap3A_334 = arith.index_cast %rem3A_304 : i32 to index
          %swap3A_335 = arith.constant 32 : index
          %swap3A_336 = tpu.vector_load %arg12[%swap3A_334, %swap3A_335] {strides = array<i32>} : memref<128x64xf32, #tpu.memory_space<vmem>>, vector<16xf32>,
          tpu.vector_store %arg12[%swap3A_334, %swap3A_335], %add3A_333 {strides = array<i32>} : memref<128x64xf32, #tpu.memory_space<vmem>>, vector<16xf32>,
          %sub3A_337 = vector.broadcast %mul3A_272 : f32 to vector<16xf32>
          %sub3A_338 = arith.subf %gather3A_258, %sub3A_337 : vector<16xf32>
          %mul3A_339 = vector.broadcast %mul3A_302 : f32 to vector<16xf32>
          %mul3A_340 = arith.mulf %mul3A_339, %get3A_77 : vector<16xf32>
          %mul3A_341 = arith.mulf %sub3A_338, %mul3A_340 : vector<16xf32>
          %add3A_342 = arith.addf %mul3A_341, %get3A_85 : vector<16xf32>
          %swap3A_343 = arith.index_cast %rem3A_304 : i32 to index
          %swap3A_344 = arith.constant 48 : index
          %swap3A_345 = tpu.vector_load %arg12[%swap3A_343, %swap3A_344] {strides = array<i32>} : memref<128x64xf32, #tpu.memory_space<vmem>>, vector<16xf32>,
          tpu.vector_store %arg12[%swap3A_343, %swap3A_344], %add3A_342 {strides = array<i32>} : memref<128x64xf32, #tpu.memory_space<vmem>>, vector<16xf32>,
          %slice3A_346 = vector.extract_strided_slice %gather3A_252 {offsets = [0], sizes = [1], strides = [1]} : vector<16xi32> to vector<1xi32>
          %squeeze3A_347 = vector.extract %slice3A_346[0] : i32 from vector<1xi32>
          %mul3A_348 = arith.constant 64 : i32
          %mul3A_349 = arith.muli %squeeze3A_347, %mul3A_348 : i32
          %dma_start3A = arith.constant 0 : i32
          %dma_start3A_350 = tpu.memref_slice %arg12[%rem3A_304, %dma_start3A] : memref<128x64xf32, #tpu.memory_space<vmem>> -> memref<1x64xf32, #tpu.memory_space<vmem>>
          %dma_start3A_351 = tpu.memref_squeeze %dma_start3A_350 : memref<1x64xf32, #tpu.memory_space<vmem>> -> memref<64xf32, #tpu.memory_space<vmem>>
          %dma_start3A_352 = tpu.memref_slice %arg6[%mul3A_349] : memref<1048576xf32, #tpu.memory_space<hbm>> -> memref<64xf32, #tpu.memory_space<hbm>>
          %dma_start3A_353 = tpu.memref_slice %arg6[%mul3A_349] : memref<1048576xf32, #tpu.memory_space<hbm>> -> memref<64xf32, #tpu.memory_space<hbm>>
          %dma_start3A_354 = arith.constant 0 : i32
          %dma_start3A_355 = tpu.memref_slice %arg12[%rem3A_304, %dma_start3A_354] : memref<128x64xf32, #tpu.memory_space<vmem>> -> memref<1x64xf32, #tpu.memory_space<vmem>>
          %dma_start3A_356 = tpu.memref_squeeze %dma_start3A_355 : memref<1x64xf32, #tpu.memory_space<vmem>> -> memref<64xf32, #tpu.memory_space<vmem>>
          tpu.enqueue_dma source(%dma_start3A_356 : memref<64xf32, #tpu.memory_space<vmem>>) target(%dma_start3A_353 : memref<64xf32, #tpu.memory_space<hbm>>) target_semaphore(%arg19 : memref<!tpu.dma_semaphore, #tpu.memory_space<semaphore_mem>>)
          %add3A_357 = arith.constant 1 : i32
          %add3A_358 = arith.addi %while3A_251, %add3A_357 : i32
          scf.yield %add3A_358 : i32
        }
        %while3A_248 = arith.constant 1 : i32
        %while3A_249 = scf.for %while3A_250 = %while3A_245 to %while3A_241 step %while3A_248 iter_args(%while3A_251 = %while3A_247) -> (i32)  : i32 {
          %broadcast_in_dim3A = vector.broadcast %while3A_250 : i32 to vector<16xi32>
          %gather3A = tpu.vector_load_idx %arg13[%broadcast_in_dim3A] : memref<16xi32, #tpu.memory_space<vmem>>[vector<16xi32>], vector<16xi32>,
          %gather3A_252 = tpu.vector_load_idx %arg14[%broadcast_in_dim3A] : memref<16xi32, #tpu.memory_space<vmem>>[vector<16xi32>], vector<16xi32>,
          %sub3A_253 = vector.broadcast %mul3A_139 : i32 to vector<16xi32>
          %sub3A_254 = arith.subi %gather3A, %sub3A_253 : vector<16xi32>
          %gather3A_255 = tpu.vector_load_idx %arg10[%add3A_88, %sub3A_254] : memref<64x512xf32, #tpu.memory_space<vmem>>[vector<16xi32>, vector<16xi32>], vector<16xf32>,
          %gather3A_256 = tpu.vector_load_idx %arg10[%add3A_91, %sub3A_254] : memref<64x512xf32, #tpu.memory_space<vmem>>[vector<16xi32>, vector<16xi32>], vector<16xf32>,
          %gather3A_257 = tpu.vector_load_idx %arg10[%add3A_94, %sub3A_254] : memref<64x512xf32, #tpu.memory_space<vmem>>[vector<16xi32>, vector<16xi32>], vector<16xf32>,
          %gather3A_258 = tpu.vector_load_idx %arg10[%add3A_97, %sub3A_254] : memref<64x512xf32, #tpu.memory_space<vmem>>[vector<16xi32>, vector<16xi32>], vector<16xf32>,
          %add3A_259 = arith.addf %gather3A_255, %gather3A_256 : vector<16xf32>
          %add3A_260 = arith.addf %gather3A_257, %gather3A_258 : vector<16xf32>
          %add3A_261 = arith.addf %add3A_259, %add3A_260 : vector<16xf32>
          %mul3A_262 = arith.mulf %gather3A_255, %gather3A_255 : vector<16xf32>
          %mul3A_263 = arith.mulf %gather3A_256, %gather3A_256 : vector<16xf32>
          %add3A_264 = arith.addf %mul3A_262, %mul3A_263 : vector<16xf32>
          %mul3A_265 = arith.mulf %gather3A_257, %gather3A_257 : vector<16xf32>
          %mul3A_266 = arith.mulf %gather3A_258, %gather3A_258 : vector<16xf32>
          %add3A_267 = arith.addf %mul3A_265, %mul3A_266 : vector<16xf32>
          %add3A_268 = arith.addf %add3A_264, %add3A_267 : vector<16xf32>
          %reduce_sum3A = arith.constant true
          %reduce_sum3A_269 = vector.broadcast %reduce_sum3A : i1 to vector<16xi1>
          %reduce_sum3A_270 = tpu.scan <sum>, %add3A_261 masked %reduce_sum3A_269 : vector<16xf32>, vector<16xi1> -> vector<16xf32>
          %reduce_sum3A_271 = vector.extract %reduce_sum3A_270[15] : f32 from vector<16xf32>
          %mul3A_272 = arith.mulf %reduce_sum3A_271, %scan3A_98 : f32
          %reduce_sum3A_273 = arith.constant true
          %reduce_sum3A_274 = vector.broadcast %reduce_sum3A_273 : i1 to vector<16xi1>
          %reduce_sum3A_275 = tpu.scan <sum>, %add3A_268 masked %reduce_sum3A_274 : vector<16xf32>, vector<16xi1> -> vector<16xf32>
          %reduce_sum3A_276 = vector.extract %reduce_sum3A_275[15] : f32 from vector<16xf32>
          %mul3A_277 = arith.mulf %reduce_sum3A_276, %scan3A_98 : f32
          %mul3A_278 = arith.mulf %mul3A_272, %mul3A_272 : f32
          %sub3A_279 = arith.subf %mul3A_277, %mul3A_278 : f32
          %add3A_280 = arith.constant 9.99999974E-6 : f32
          %add3A_281 = arith.addf %sub3A_279, %add3A_280 : f32
          %bitcast_convert_type3A = arith.bitcast %add3A_281 : f32 to i32
          %shift_right_arithmetic3A = arith.constant 1 : i32
          %shift_right_arithmetic3A_282 = arith.shrsi %bitcast_convert_type3A, %shift_right_arithmetic3A : i32
          %sub3A_283 = arith.constant 1597463007 : i32
          %sub3A_284 = arith.subi %sub3A_283, %shift_right_arithmetic3A_282 : i32
          %bitcast_convert_type3A_285 = arith.bitcast %sub3A_284 : i32 to f32
          %mul3A_286 = arith.constant 5.000000e-01 : f32
          %mul3A_287 = arith.mulf %mul3A_286, %add3A_281 : f32
          %mul3A_288 = arith.mulf %mul3A_287, %bitcast_convert_type3A_285 : f32
          %mul3A_289 = arith.mulf %mul3A_288, %bitcast_convert_type3A_285 : f32
          %sub3A_290 = arith.constant 1.500000e+00 : f32
          %sub3A_291 = arith.subf %sub3A_290, %mul3A_289 : f32
          %mul3A_292 = arith.mulf %bitcast_convert_type3A_285, %sub3A_291 : f32
          %mul3A_293 = arith.mulf %mul3A_287, %mul3A_292 : f32
          %mul3A_294 = arith.mulf %mul3A_293, %mul3A_292 : f32
          %sub3A_295 = arith.constant 1.500000e+00 : f32
          %sub3A_296 = arith.subf %sub3A_295, %mul3A_294 : f32
          %mul3A_297 = arith.mulf %mul3A_292, %sub3A_296 : f32
          %mul3A_298 = arith.mulf %mul3A_287, %mul3A_297 : f32
          %mul3A_299 = arith.mulf %mul3A_298, %mul3A_297 : f32
          %sub3A_300 = arith.constant 1.500000e+00 : f32
          %sub3A_301 = arith.subf %sub3A_300, %mul3A_299 : f32
          %mul3A_302 = arith.mulf %mul3A_297, %sub3A_301 : f32
          %rem3A_303 = arith.constant 128 : i32
          %rem3A_304 = arith.remsi %while3A_251, %rem3A_303 : i32
          %ge3A_305 = arith.constant 128 : i32
          %ge3A_306 = arith.cmpi sge, %while3A_251, %ge3A_305 : i32
          %convert_element_type3A_307 = arith.extui %ge3A_306 : i1 to i32
          %cond3A_308 = arith.constant 0 : i32
          %cond3A_309 = arith.cmpi ne, %convert_element_type3A_307, %cond3A_308 : i32
          scf.if %cond3A_309 {
            %dma_wait3A = arith.constant 0 : i32
            %dma_wait3A_359 = arith.constant 0 : i32
            %dma_wait3A_360 = tpu.memref_slice %arg12[%dma_wait3A, %dma_wait3A_359] : memref<128x64xf32, #tpu.memory_space<vmem>> -> memref<1x64xf32, #tpu.memory_space<vmem>>
            %dma_wait3A_361 = tpu.memref_squeeze %dma_wait3A_360 : memref<1x64xf32, #tpu.memory_space<vmem>> -> memref<64xf32, #tpu.memory_space<vmem>>
            %dma_wait3A_362 = arith.constant 0 : i32
            %dma_wait3A_363 = tpu.memref_slice %arg6[%dma_wait3A_362] : memref<1048576xf32, #tpu.memory_space<hbm>> -> memref<64xf32, #tpu.memory_space<hbm>>
            %dma_wait3A_364 = arith.constant 0 : i32
            %dma_wait3A_365 = tpu.memref_slice %arg6[%dma_wait3A_364] : memref<1048576xf32, #tpu.memory_space<hbm>> -> memref<64xf32, #tpu.memory_space<hbm>>
            %dma_wait3A_366 = arith.constant 0 : i32
            %dma_wait3A_367 = tpu.memref_slice %arg12[%dma_wait3A, %dma_wait3A_366] : memref<128x64xf32, #tpu.memory_space<vmem>> -> memref<1x64xf32, #tpu.memory_space<vmem>>
            %dma_wait3A_368 = tpu.memref_squeeze %dma_wait3A_367 : memref<1x64xf32, #tpu.memory_space<vmem>> -> memref<64xf32, #tpu.memory_space<vmem>>
            tpu.wait_dma2 semaphore(%arg19 : memref<!tpu.dma_semaphore, #tpu.memory_space<semaphore_mem>>) src(%dma_wait3A_368 : memref<64xf32, #tpu.memory_space<vmem>>) dst(%dma_wait3A_365 : memref<64xf32, #tpu.memory_space<hbm>>)
          } else {
          }
          %sub3A_310 = vector.broadcast %mul3A_272 : f32 to vector<16xf32>
          %sub3A_311 = arith.subf %gather3A_255, %sub3A_310 : vector<16xf32>
          %mul3A_312 = vector.broadcast %mul3A_302 : f32 to vector<16xf32>
          %mul3A_313 = arith.mulf %mul3A_312, %get3A_71 : vector<16xf32>
          %mul3A_314 = arith.mulf %sub3A_311, %mul3A_313 : vector<16xf32>
          %add3A_315 = arith.addf %mul3A_314, %get3A_79 : vector<16xf32>
          %swap3A_316 = arith.index_cast %rem3A_304 : i32 to index
          %swap3A_317 = arith.constant 0 : index
          %swap3A_318 = tpu.vector_load %arg12[%swap3A_316, %swap3A_317] {strides = array<i32>} : memref<128x64xf32, #tpu.memory_space<vmem>>, vector<16xf32>,
          tpu.vector_store %arg12[%swap3A_316, %swap3A_317], %add3A_315 {strides = array<i32>} : memref<128x64xf32, #tpu.memory_space<vmem>>, vector<16xf32>,
          %sub3A_319 = vector.broadcast %mul3A_272 : f32 to vector<16xf32>
          %sub3A_320 = arith.subf %gather3A_256, %sub3A_319 : vector<16xf32>
          %mul3A_321 = vector.broadcast %mul3A_302 : f32 to vector<16xf32>
          %mul3A_322 = arith.mulf %mul3A_321, %get3A_73 : vector<16xf32>
          %mul3A_323 = arith.mulf %sub3A_320, %mul3A_322 : vector<16xf32>
          %add3A_324 = arith.addf %mul3A_323, %get3A_81 : vector<16xf32>
          %swap3A_325 = arith.index_cast %rem3A_304 : i32 to index
          %swap3A_326 = arith.constant 16 : index
          %swap3A_327 = tpu.vector_load %arg12[%swap3A_325, %swap3A_326] {strides = array<i32>} : memref<128x64xf32, #tpu.memory_space<vmem>>, vector<16xf32>,
          tpu.vector_store %arg12[%swap3A_325, %swap3A_326], %add3A_324 {strides = array<i32>} : memref<128x64xf32, #tpu.memory_space<vmem>>, vector<16xf32>,
          %sub3A_328 = vector.broadcast %mul3A_272 : f32 to vector<16xf32>
          %sub3A_329 = arith.subf %gather3A_257, %sub3A_328 : vector<16xf32>
          %mul3A_330 = vector.broadcast %mul3A_302 : f32 to vector<16xf32>
          %mul3A_331 = arith.mulf %mul3A_330, %get3A_75 : vector<16xf32>
          %mul3A_332 = arith.mulf %sub3A_329, %mul3A_331 : vector<16xf32>
          %add3A_333 = arith.addf %mul3A_332, %get3A_83 : vector<16xf32>
          %swap3A_334 = arith.index_cast %rem3A_304 : i32 to index
          %swap3A_335 = arith.constant 32 : index
          %swap3A_336 = tpu.vector_load %arg12[%swap3A_334, %swap3A_335] {strides = array<i32>} : memref<128x64xf32, #tpu.memory_space<vmem>>, vector<16xf32>,
          tpu.vector_store %arg12[%swap3A_334, %swap3A_335], %add3A_333 {strides = array<i32>} : memref<128x64xf32, #tpu.memory_space<vmem>>, vector<16xf32>,
          %sub3A_337 = vector.broadcast %mul3A_272 : f32 to vector<16xf32>
          %sub3A_338 = arith.subf %gather3A_258, %sub3A_337 : vector<16xf32>
          %mul3A_339 = vector.broadcast %mul3A_302 : f32 to vector<16xf32>
          %mul3A_340 = arith.mulf %mul3A_339, %get3A_77 : vector<16xf32>
          %mul3A_341 = arith.mulf %sub3A_338, %mul3A_340 : vector<16xf32>
          %add3A_342 = arith.addf %mul3A_341, %get3A_85 : vector<16xf32>
          %swap3A_343 = arith.index_cast %rem3A_304 : i32 to index
          %swap3A_344 = arith.constant 48 : index
          %swap3A_345 = tpu.vector_load %arg12[%swap3A_343, %swap3A_344] {strides = array<i32>} : memref<128x64xf32, #tpu.memory_space<vmem>>, vector<16xf32>,
          tpu.vector_store %arg12[%swap3A_343, %swap3A_344], %add3A_342 {strides = array<i32>} : memref<128x64xf32, #tpu.memory_space<vmem>>, vector<16xf32>,
          %slice3A_346 = vector.extract_strided_slice %gather3A_252 {offsets = [0], sizes = [1], strides = [1]} : vector<16xi32> to vector<1xi32>
          %squeeze3A_347 = vector.extract %slice3A_346[0] : i32 from vector<1xi32>
          %mul3A_348 = arith.constant 64 : i32
          %mul3A_349 = arith.muli %squeeze3A_347, %mul3A_348 : i32
          %dma_start3A = arith.constant 0 : i32
          %dma_start3A_350 = tpu.memref_slice %arg12[%rem3A_304, %dma_start3A] : memref<128x64xf32, #tpu.memory_space<vmem>> -> memref<1x64xf32, #tpu.memory_space<vmem>>
          %dma_start3A_351 = tpu.memref_squeeze %dma_start3A_350 : memref<1x64xf32, #tpu.memory_space<vmem>> -> memref<64xf32, #tpu.memory_space<vmem>>
          %dma_start3A_352 = tpu.memref_slice %arg6[%mul3A_349] : memref<1048576xf32, #tpu.memory_space<hbm>> -> memref<64xf32, #tpu.memory_space<hbm>>
          %dma_start3A_353 = tpu.memref_slice %arg6[%mul3A_349] : memref<1048576xf32, #tpu.memory_space<hbm>> -> memref<64xf32, #tpu.memory_space<hbm>>
          %dma_start3A_354 = arith.constant 0 : i32
          %dma_start3A_355 = tpu.memref_slice %arg12[%rem3A_304, %dma_start3A_354] : memref<128x64xf32, #tpu.memory_space<vmem>> -> memref<1x64xf32, #tpu.memory_space<vmem>>
          %dma_start3A_356 = tpu.memref_squeeze %dma_start3A_355 : memref<1x64xf32, #tpu.memory_space<vmem>> -> memref<64xf32, #tpu.memory_space<vmem>>
          tpu.enqueue_dma source(%dma_start3A_356 : memref<64xf32, #tpu.memory_space<vmem>>) target(%dma_start3A_353 : memref<64xf32, #tpu.memory_space<hbm>>) target_semaphore(%arg19 : memref<!tpu.dma_semaphore, #tpu.memory_space<semaphore_mem>>)
          %add3A_357 = arith.constant 1 : i32
          %add3A_358 = arith.addi %while3A_251, %add3A_357 : i32
          scf.yield %add3A_358 : i32
        }
        scf.yield %while3A_249 : i32
      }
      %add3A_155 = arith.constant 2 : i32
      %add3A_156 = arith.addi %add3A_121, %add3A_155 : i32
      %lt3A_157 = arith.cmpi slt, %add3A_156, %add3A_9 : i32
      %eq3A_158 = arith.constant 1953 : i32
      %eq3A_159 = arith.cmpi eq, %add3A_156, %eq3A_158 : i32
      %mul3A_160 = arith.constant 512 : i32
      %mul3A_161 = arith.muli %add3A_156, %mul3A_160 : i32
      %multiple_of3A_162 = tpu.assume_multiple %mul3A_161, 512 : i32
      %not3A_163 = arith.constant true
      %not3A_164 = arith.xori %eq3A_159, %not3A_163 : i1
      %and3A_165 = arith.andi %lt3A_157, %not3A_164 : i1
      %convert_element_type3A_166 = arith.extui %and3A_165 : i1 to i32
      %cond3A_167 = arith.constant 0 : i32
      %cond3A_168 = arith.cmpi ne, %convert_element_type3A_166, %cond3A_167 : i32
      scf.if %cond3A_168 {
        %dma_start3A = arith.constant 0 : i32
        %dma_start3A_222 = tpu.memref_slice %arg3[%dma_start3A, %multiple_of3A_162] : memref<64x1000000xf32, #tpu.memory_space<hbm>> -> memref<64x512xf32, #tpu.memory_space<hbm>>
        %dma_start3A_223 = arith.constant 0 : i32
        %dma_start3A_224 = tpu.memref_slice %arg3[%dma_start3A_223, %multiple_of3A_162] : memref<64x1000000xf32, #tpu.memory_space<hbm>> -> memref<64x512xf32, #tpu.memory_space<hbm>>
        tpu.enqueue_dma source(%dma_start3A_224 : memref<64x512xf32, #tpu.memory_space<hbm>>) target(%arg10 : memref<64x512xf32, #tpu.memory_space<vmem>>) target_semaphore(%arg17 : memref<!tpu.dma_semaphore, #tpu.memory_space<semaphore_mem>>)
      } else {
      }
      %and3A_169 = arith.andi %lt3A_157, %eq3A_159 : i1
      %convert_element_type3A_170 = arith.extui %and3A_169 : i1 to i32
      %cond3A_171 = arith.constant 0 : i32
      %cond3A_172 = arith.cmpi ne, %convert_element_type3A_170, %cond3A_171 : i32
      scf.if %cond3A_172 {
        %mul3A_222 = arith.constant 512 : i32
        %mul3A_223 = arith.muli %add3A_156, %mul3A_222 : i32
        %multiple_of3A_224 = tpu.assume_multiple %mul3A_223, 128 : i32
        %dma_start3A = arith.constant 0 : i32
        %dma_start3A_225 = arith.constant 0 : i32
        %dma_start3A_226 = tpu.memref_slice %arg10[%dma_start3A, %dma_start3A_225] : memref<64x512xf32, #tpu.memory_space<vmem>> -> memref<64x128xf32, #tpu.memory_space<vmem>>
        %dma_start3A_227 = arith.constant 0 : i32
        %dma_start3A_228 = tpu.memref_slice %arg3[%dma_start3A_227, %multiple_of3A_224] : memref<64x1000000xf32, #tpu.memory_space<hbm>> -> memref<64x128xf32, #tpu.memory_space<hbm>>
        %dma_start3A_229 = arith.constant 0 : i32
        %dma_start3A_230 = arith.constant 0 : i32
        %dma_start3A_231 = tpu.memref_slice %arg10[%dma_start3A_229, %dma_start3A_230] : memref<64x512xf32, #tpu.memory_space<vmem>> -> memref<64x128xf32, #tpu.memory_space<vmem>>
        %dma_start3A_232 = arith.constant 0 : i32
        %dma_start3A_233 = tpu.memref_slice %arg3[%dma_start3A_232, %multiple_of3A_224] : memref<64x1000000xf32, #tpu.memory_space<hbm>> -> memref<64x128xf32, #tpu.memory_space<hbm>>
        tpu.enqueue_dma source(%dma_start3A_233 : memref<64x128xf32, #tpu.memory_space<hbm>>) target(%dma_start3A_231 : memref<64x128xf32, #tpu.memory_space<vmem>>) target_semaphore(%arg17 : memref<!tpu.dma_semaphore, #tpu.memory_space<semaphore_mem>>)
      } else {
      }
      %lt3A_173 = arith.cmpi slt, %add3A_123, %add3A_9 : i32
      %eq3A_174 = arith.constant 1953 : i32
      %eq3A_175 = arith.cmpi eq, %add3A_123, %eq3A_174 : i32
      %not3A_176 = arith.constant true
      %not3A_177 = arith.xori %eq3A_175, %not3A_176 : i1
      %and3A_178 = arith.andi %lt3A_173, %not3A_177 : i1
      %convert_element_type3A_179 = arith.extui %and3A_178 : i1 to i32
      %cond3A_180 = arith.constant 0 : i32
      %cond3A_181 = arith.cmpi ne, %convert_element_type3A_179, %cond3A_180 : i32
      scf.if %cond3A_181 {
        %dma_wait3A = arith.constant 0 : i32
        %dma_wait3A_222 = arith.constant 0 : i32
        %dma_wait3A_223 = tpu.memref_slice %arg3[%dma_wait3A, %dma_wait3A_222] : memref<64x1000000xf32, #tpu.memory_space<hbm>> -> memref<64x512xf32, #tpu.memory_space<hbm>>
        %dma_wait3A_224 = arith.constant 0 : i32
        %dma_wait3A_225 = arith.constant 0 : i32
        %dma_wait3A_226 = tpu.memref_slice %arg3[%dma_wait3A_224, %dma_wait3A_225] : memref<64x1000000xf32, #tpu.memory_space<hbm>> -> memref<64x512xf32, #tpu.memory_space<hbm>>
        tpu.wait_dma2 semaphore(%arg18 : memref<!tpu.dma_semaphore, #tpu.memory_space<semaphore_mem>>) src(%dma_wait3A_226 : memref<64x512xf32, #tpu.memory_space<hbm>>) dst(%arg11 : memref<64x512xf32, #tpu.memory_space<vmem>>)
      } else {
      }
      %and3A_182 = arith.andi %lt3A_173, %eq3A_175 : i1
      %convert_element_type3A_183 = arith.extui %and3A_182 : i1 to i32
      %cond3A_184 = arith.constant 0 : i32
      %cond3A_185 = arith.cmpi ne, %convert_element_type3A_183, %cond3A_184 : i32
      scf.if %cond3A_185 {
        %dma_wait3A = arith.constant 0 : i32
        %dma_wait3A_222 = arith.constant 0 : i32
        %dma_wait3A_223 = tpu.memref_slice %arg11[%dma_wait3A, %dma_wait3A_222] : memref<64x512xf32, #tpu.memory_space<vmem>> -> memref<64x128xf32, #tpu.memory_space<vmem>>
        %dma_wait3A_224 = arith.constant 0 : i32
        %dma_wait3A_225 = arith.constant 0 : i32
        %dma_wait3A_226 = tpu.memref_slice %arg3[%dma_wait3A_224, %dma_wait3A_225] : memref<64x1000000xf32, #tpu.memory_space<hbm>> -> memref<64x128xf32, #tpu.memory_space<hbm>>
        %dma_wait3A_227 = arith.constant 0 : i32
        %dma_wait3A_228 = arith.constant 0 : i32
        %dma_wait3A_229 = tpu.memref_slice %arg11[%dma_wait3A_227, %dma_wait3A_228] : memref<64x512xf32, #tpu.memory_space<vmem>> -> memref<64x128xf32, #tpu.memory_space<vmem>>
        %dma_wait3A_230 = arith.constant 0 : i32
        %dma_wait3A_231 = arith.constant 0 : i32
        %dma_wait3A_232 = tpu.memref_slice %arg3[%dma_wait3A_230, %dma_wait3A_231] : memref<64x1000000xf32, #tpu.memory_space<hbm>> -> memref<64x128xf32, #tpu.memory_space<hbm>>
        tpu.wait_dma2 semaphore(%arg18 : memref<!tpu.dma_semaphore, #tpu.memory_space<semaphore_mem>>) src(%dma_wait3A_232 : memref<64x128xf32, #tpu.memory_space<hbm>>) dst(%dma_wait3A_229 : memref<64x128xf32, #tpu.memory_space<vmem>>)
      } else {
      }
      %lt3A_186 = arith.cmpi slt, %add3A_123, %add3A_9 : i32
      %mul3A_187 = arith.constant 512 : i32
      %mul3A_188 = arith.muli %add3A_123, %mul3A_187 : i32
      %add3A_189 = arith.constant 512 : i32
      %add3A_190 = arith.addi %mul3A_188, %add3A_189 : i32
      %jit3A_191 = arith.constant 0 : i32
      %select_n3A_192 = arith.select %lt3A_186, %select_n3A_70, %jit3A_191 : i32
      %while3A_193 = arith.constant 0 : i32
      %while3A_194 = arith.subi %select_n3A_192, %while3A_193 : i32
      %while3A_195 = arith.addi %while3A_193, %while3A_194 : i32
      %while3A_196 = arith.constant 1 : i32
      %while3A_197 = arith.divsi %while3A_194, %while3A_196 : i32
      %while3A_198 = arith.muli %while3A_197, %while3A_196 : i32
      %while3A_199 = arith.addi %while3A_193, %while3A_198 : i32
      %while3A_200 = arith.constant 1 : i32
      %while3A_201 = scf.for %while3A_222 = %while3A_193 to %while3A_199 step %while3A_200 iter_args(%while3A_223 = %while3A_154) -> (i32)  : i32 {
        %mul3A_224 = arith.constant 16 : i32
        %mul3A_225 = arith.muli %while3A_222, %mul3A_224 : i32
        %get3A_226 = arith.index_cast %mul3A_225 : i32 to index
        %get3A_227 = tpu.vector_load %arg8[%get3A_226] {strides = array<i32>} : memref<4096xi32, #tpu.memory_space<vmem>>, vector<16xi32>,
        %mul3A_228 = arith.constant 16 : i32
        %mul3A_229 = arith.muli %while3A_222, %mul3A_228 : i32
        %get3A_230 = arith.index_cast %mul3A_229 : i32 to index
        %get3A_231 = tpu.vector_load %arg9[%get3A_230] {strides = array<i32>} : memref<4096xi32, #tpu.memory_space<vmem>>, vector<16xi32>,
        %ge3A = vector.broadcast %mul3A_188 : i32 to vector<16xi32>
        %ge3A_232 = arith.cmpi sge, %get3A_227, %ge3A : vector<16xi32>
        %lt3A_233 = vector.broadcast %add3A_190 : i32 to vector<16xi32>
        %lt3A_234 = arith.cmpi slt, %get3A_227, %lt3A_233 : vector<16xi32>
        %and3A_235 = arith.andi %ge3A_232, %lt3A_234 : vector<16xi1>
        %swap3A = arith.constant 0 : index
        %swap3A_236 = tpu.vector_load %arg13[%swap3A] masked %and3A_235 {strides = array<i32>} : memref<16xi32, #tpu.memory_space<vmem>>, vector<16xi32>, vector<16xi1>
        tpu.vector_store %arg13[%swap3A], %get3A_227 masked %and3A_235 {strides = array<i32>} : memref<16xi32, #tpu.memory_space<vmem>>, vector<16xi32>, vector<16xi1>
        %swap3A_237 = arith.constant 0 : index
        %swap3A_238 = tpu.vector_load %arg14[%swap3A_237] masked %and3A_235 {strides = array<i32>} : memref<16xi32, #tpu.memory_space<vmem>>, vector<16xi32>, vector<16xi1>
        tpu.vector_store %arg14[%swap3A_237], %get3A_231 masked %and3A_235 {strides = array<i32>} : memref<16xi32, #tpu.memory_space<vmem>>, vector<16xi32>, vector<16xi1>
        %all_reduce_population_count3A = tpu.all_reduce %and3A_235 {dim = 0 : i64, kind = #tpu.reduction_kind<sum>} : vector<16xi1> -> vector<16xi32>
        %slice3A = vector.extract_strided_slice %all_reduce_population_count3A {offsets = [0], sizes = [1], strides = [1]} : vector<16xi32> to vector<1xi32>
        %squeeze3A = vector.extract %slice3A[0] : i32 from vector<1xi32>
        %while3A_239 = arith.constant 0 : i32
        %while3A_240 = arith.subi %squeeze3A, %while3A_239 : i32
        %while3A_241 = arith.addi %while3A_239, %while3A_240 : i32
        %while3A_242 = arith.constant 1 : i32
        %while3A_243 = arith.divsi %while3A_240, %while3A_242 : i32
        %while3A_244 = arith.muli %while3A_243, %while3A_242 : i32
        %while3A_245 = arith.addi %while3A_239, %while3A_244 : i32
        %while3A_246 = arith.constant 1 : i32
        %while3A_247 = scf.for %while3A_250 = %while3A_239 to %while3A_245 step %while3A_246 iter_args(%while3A_251 = %while3A_223) -> (i32)  : i32 {
          %broadcast_in_dim3A = vector.broadcast %while3A_250 : i32 to vector<16xi32>
          %gather3A = tpu.vector_load_idx %arg13[%broadcast_in_dim3A] : memref<16xi32, #tpu.memory_space<vmem>>[vector<16xi32>], vector<16xi32>,
          %gather3A_252 = tpu.vector_load_idx %arg14[%broadcast_in_dim3A] : memref<16xi32, #tpu.memory_space<vmem>>[vector<16xi32>], vector<16xi32>,
          %sub3A_253 = vector.broadcast %mul3A_188 : i32 to vector<16xi32>
          %sub3A_254 = arith.subi %gather3A, %sub3A_253 : vector<16xi32>
          %gather3A_255 = tpu.vector_load_idx %arg11[%add3A_88, %sub3A_254] : memref<64x512xf32, #tpu.memory_space<vmem>>[vector<16xi32>, vector<16xi32>], vector<16xf32>,
          %gather3A_256 = tpu.vector_load_idx %arg11[%add3A_91, %sub3A_254] : memref<64x512xf32, #tpu.memory_space<vmem>>[vector<16xi32>, vector<16xi32>], vector<16xf32>,
          %gather3A_257 = tpu.vector_load_idx %arg11[%add3A_94, %sub3A_254] : memref<64x512xf32, #tpu.memory_space<vmem>>[vector<16xi32>, vector<16xi32>], vector<16xf32>,
          %gather3A_258 = tpu.vector_load_idx %arg11[%add3A_97, %sub3A_254] : memref<64x512xf32, #tpu.memory_space<vmem>>[vector<16xi32>, vector<16xi32>], vector<16xf32>,
          %add3A_259 = arith.addf %gather3A_255, %gather3A_256 : vector<16xf32>
          %add3A_260 = arith.addf %gather3A_257, %gather3A_258 : vector<16xf32>
          %add3A_261 = arith.addf %add3A_259, %add3A_260 : vector<16xf32>
          %mul3A_262 = arith.mulf %gather3A_255, %gather3A_255 : vector<16xf32>
          %mul3A_263 = arith.mulf %gather3A_256, %gather3A_256 : vector<16xf32>
          %add3A_264 = arith.addf %mul3A_262, %mul3A_263 : vector<16xf32>
          %mul3A_265 = arith.mulf %gather3A_257, %gather3A_257 : vector<16xf32>
          %mul3A_266 = arith.mulf %gather3A_258, %gather3A_258 : vector<16xf32>
          %add3A_267 = arith.addf %mul3A_265, %mul3A_266 : vector<16xf32>
          %add3A_268 = arith.addf %add3A_264, %add3A_267 : vector<16xf32>
          %reduce_sum3A = arith.constant true
          %reduce_sum3A_269 = vector.broadcast %reduce_sum3A : i1 to vector<16xi1>
          %reduce_sum3A_270 = tpu.scan <sum>, %add3A_261 masked %reduce_sum3A_269 : vector<16xf32>, vector<16xi1> -> vector<16xf32>
          %reduce_sum3A_271 = vector.extract %reduce_sum3A_270[15] : f32 from vector<16xf32>
          %mul3A_272 = arith.mulf %reduce_sum3A_271, %scan3A_98 : f32
          %reduce_sum3A_273 = arith.constant true
          %reduce_sum3A_274 = vector.broadcast %reduce_sum3A_273 : i1 to vector<16xi1>
          %reduce_sum3A_275 = tpu.scan <sum>, %add3A_268 masked %reduce_sum3A_274 : vector<16xf32>, vector<16xi1> -> vector<16xf32>
          %reduce_sum3A_276 = vector.extract %reduce_sum3A_275[15] : f32 from vector<16xf32>
          %mul3A_277 = arith.mulf %reduce_sum3A_276, %scan3A_98 : f32
          %mul3A_278 = arith.mulf %mul3A_272, %mul3A_272 : f32
          %sub3A_279 = arith.subf %mul3A_277, %mul3A_278 : f32
          %add3A_280 = arith.constant 9.99999974E-6 : f32
          %add3A_281 = arith.addf %sub3A_279, %add3A_280 : f32
          %bitcast_convert_type3A = arith.bitcast %add3A_281 : f32 to i32
          %shift_right_arithmetic3A = arith.constant 1 : i32
          %shift_right_arithmetic3A_282 = arith.shrsi %bitcast_convert_type3A, %shift_right_arithmetic3A : i32
          %sub3A_283 = arith.constant 1597463007 : i32
          %sub3A_284 = arith.subi %sub3A_283, %shift_right_arithmetic3A_282 : i32
          %bitcast_convert_type3A_285 = arith.bitcast %sub3A_284 : i32 to f32
          %mul3A_286 = arith.constant 5.000000e-01 : f32
          %mul3A_287 = arith.mulf %mul3A_286, %add3A_281 : f32
          %mul3A_288 = arith.mulf %mul3A_287, %bitcast_convert_type3A_285 : f32
          %mul3A_289 = arith.mulf %mul3A_288, %bitcast_convert_type3A_285 : f32
          %sub3A_290 = arith.constant 1.500000e+00 : f32
          %sub3A_291 = arith.subf %sub3A_290, %mul3A_289 : f32
          %mul3A_292 = arith.mulf %bitcast_convert_type3A_285, %sub3A_291 : f32
          %mul3A_293 = arith.mulf %mul3A_287, %mul3A_292 : f32
          %mul3A_294 = arith.mulf %mul3A_293, %mul3A_292 : f32
          %sub3A_295 = arith.constant 1.500000e+00 : f32
          %sub3A_296 = arith.subf %sub3A_295, %mul3A_294 : f32
          %mul3A_297 = arith.mulf %mul3A_292, %sub3A_296 : f32
          %mul3A_298 = arith.mulf %mul3A_287, %mul3A_297 : f32
          %mul3A_299 = arith.mulf %mul3A_298, %mul3A_297 : f32
          %sub3A_300 = arith.constant 1.500000e+00 : f32
          %sub3A_301 = arith.subf %sub3A_300, %mul3A_299 : f32
          %mul3A_302 = arith.mulf %mul3A_297, %sub3A_301 : f32
          %rem3A_303 = arith.constant 128 : i32
          %rem3A_304 = arith.remsi %while3A_251, %rem3A_303 : i32
          %ge3A_305 = arith.constant 128 : i32
          %ge3A_306 = arith.cmpi sge, %while3A_251, %ge3A_305 : i32
          %convert_element_type3A_307 = arith.extui %ge3A_306 : i1 to i32
          %cond3A_308 = arith.constant 0 : i32
          %cond3A_309 = arith.cmpi ne, %convert_element_type3A_307, %cond3A_308 : i32
          scf.if %cond3A_309 {
            %dma_wait3A = arith.constant 0 : i32
            %dma_wait3A_359 = arith.constant 0 : i32
            %dma_wait3A_360 = tpu.memref_slice %arg12[%dma_wait3A, %dma_wait3A_359] : memref<128x64xf32, #tpu.memory_space<vmem>> -> memref<1x64xf32, #tpu.memory_space<vmem>>
            %dma_wait3A_361 = tpu.memref_squeeze %dma_wait3A_360 : memref<1x64xf32, #tpu.memory_space<vmem>> -> memref<64xf32, #tpu.memory_space<vmem>>
            %dma_wait3A_362 = arith.constant 0 : i32
            %dma_wait3A_363 = tpu.memref_slice %arg6[%dma_wait3A_362] : memref<1048576xf32, #tpu.memory_space<hbm>> -> memref<64xf32, #tpu.memory_space<hbm>>
            %dma_wait3A_364 = arith.constant 0 : i32
            %dma_wait3A_365 = tpu.memref_slice %arg6[%dma_wait3A_364] : memref<1048576xf32, #tpu.memory_space<hbm>> -> memref<64xf32, #tpu.memory_space<hbm>>
            %dma_wait3A_366 = arith.constant 0 : i32
            %dma_wait3A_367 = tpu.memref_slice %arg12[%dma_wait3A, %dma_wait3A_366] : memref<128x64xf32, #tpu.memory_space<vmem>> -> memref<1x64xf32, #tpu.memory_space<vmem>>
            %dma_wait3A_368 = tpu.memref_squeeze %dma_wait3A_367 : memref<1x64xf32, #tpu.memory_space<vmem>> -> memref<64xf32, #tpu.memory_space<vmem>>
            tpu.wait_dma2 semaphore(%arg19 : memref<!tpu.dma_semaphore, #tpu.memory_space<semaphore_mem>>) src(%dma_wait3A_368 : memref<64xf32, #tpu.memory_space<vmem>>) dst(%dma_wait3A_365 : memref<64xf32, #tpu.memory_space<hbm>>)
          } else {
          }
          %sub3A_310 = vector.broadcast %mul3A_272 : f32 to vector<16xf32>
          %sub3A_311 = arith.subf %gather3A_255, %sub3A_310 : vector<16xf32>
          %mul3A_312 = vector.broadcast %mul3A_302 : f32 to vector<16xf32>
          %mul3A_313 = arith.mulf %mul3A_312, %get3A_71 : vector<16xf32>
          %mul3A_314 = arith.mulf %sub3A_311, %mul3A_313 : vector<16xf32>
          %add3A_315 = arith.addf %mul3A_314, %get3A_79 : vector<16xf32>
          %swap3A_316 = arith.index_cast %rem3A_304 : i32 to index
          %swap3A_317 = arith.constant 0 : index
          %swap3A_318 = tpu.vector_load %arg12[%swap3A_316, %swap3A_317] {strides = array<i32>} : memref<128x64xf32, #tpu.memory_space<vmem>>, vector<16xf32>,
          tpu.vector_store %arg12[%swap3A_316, %swap3A_317], %add3A_315 {strides = array<i32>} : memref<128x64xf32, #tpu.memory_space<vmem>>, vector<16xf32>,
          %sub3A_319 = vector.broadcast %mul3A_272 : f32 to vector<16xf32>
          %sub3A_320 = arith.subf %gather3A_256, %sub3A_319 : vector<16xf32>
          %mul3A_321 = vector.broadcast %mul3A_302 : f32 to vector<16xf32>
          %mul3A_322 = arith.mulf %mul3A_321, %get3A_73 : vector<16xf32>
          %mul3A_323 = arith.mulf %sub3A_320, %mul3A_322 : vector<16xf32>
          %add3A_324 = arith.addf %mul3A_323, %get3A_81 : vector<16xf32>
          %swap3A_325 = arith.index_cast %rem3A_304 : i32 to index
          %swap3A_326 = arith.constant 16 : index
          %swap3A_327 = tpu.vector_load %arg12[%swap3A_325, %swap3A_326] {strides = array<i32>} : memref<128x64xf32, #tpu.memory_space<vmem>>, vector<16xf32>,
          tpu.vector_store %arg12[%swap3A_325, %swap3A_326], %add3A_324 {strides = array<i32>} : memref<128x64xf32, #tpu.memory_space<vmem>>, vector<16xf32>,
          %sub3A_328 = vector.broadcast %mul3A_272 : f32 to vector<16xf32>
          %sub3A_329 = arith.subf %gather3A_257, %sub3A_328 : vector<16xf32>
          %mul3A_330 = vector.broadcast %mul3A_302 : f32 to vector<16xf32>
          %mul3A_331 = arith.mulf %mul3A_330, %get3A_75 : vector<16xf32>
          %mul3A_332 = arith.mulf %sub3A_329, %mul3A_331 : vector<16xf32>
          %add3A_333 = arith.addf %mul3A_332, %get3A_83 : vector<16xf32>
          %swap3A_334 = arith.index_cast %rem3A_304 : i32 to index
          %swap3A_335 = arith.constant 32 : index
          %swap3A_336 = tpu.vector_load %arg12[%swap3A_334, %swap3A_335] {strides = array<i32>} : memref<128x64xf32, #tpu.memory_space<vmem>>, vector<16xf32>,
          tpu.vector_store %arg12[%swap3A_334, %swap3A_335], %add3A_333 {strides = array<i32>} : memref<128x64xf32, #tpu.memory_space<vmem>>, vector<16xf32>,
          %sub3A_337 = vector.broadcast %mul3A_272 : f32 to vector<16xf32>
          %sub3A_338 = arith.subf %gather3A_258, %sub3A_337 : vector<16xf32>
          %mul3A_339 = vector.broadcast %mul3A_302 : f32 to vector<16xf32>
          %mul3A_340 = arith.mulf %mul3A_339, %get3A_77 : vector<16xf32>
          %mul3A_341 = arith.mulf %sub3A_338, %mul3A_340 : vector<16xf32>
          %add3A_342 = arith.addf %mul3A_341, %get3A_85 : vector<16xf32>
          %swap3A_343 = arith.index_cast %rem3A_304 : i32 to index
          %swap3A_344 = arith.constant 48 : index
          %swap3A_345 = tpu.vector_load %arg12[%swap3A_343, %swap3A_344] {strides = array<i32>} : memref<128x64xf32, #tpu.memory_space<vmem>>, vector<16xf32>,
          tpu.vector_store %arg12[%swap3A_343, %swap3A_344], %add3A_342 {strides = array<i32>} : memref<128x64xf32, #tpu.memory_space<vmem>>, vector<16xf32>,
          %slice3A_346 = vector.extract_strided_slice %gather3A_252 {offsets = [0], sizes = [1], strides = [1]} : vector<16xi32> to vector<1xi32>
          %squeeze3A_347 = vector.extract %slice3A_346[0] : i32 from vector<1xi32>
          %mul3A_348 = arith.constant 64 : i32
          %mul3A_349 = arith.muli %squeeze3A_347, %mul3A_348 : i32
          %dma_start3A = arith.constant 0 : i32
          %dma_start3A_350 = tpu.memref_slice %arg12[%rem3A_304, %dma_start3A] : memref<128x64xf32, #tpu.memory_space<vmem>> -> memref<1x64xf32, #tpu.memory_space<vmem>>
          %dma_start3A_351 = tpu.memref_squeeze %dma_start3A_350 : memref<1x64xf32, #tpu.memory_space<vmem>> -> memref<64xf32, #tpu.memory_space<vmem>>
          %dma_start3A_352 = tpu.memref_slice %arg6[%mul3A_349] : memref<1048576xf32, #tpu.memory_space<hbm>> -> memref<64xf32, #tpu.memory_space<hbm>>
          %dma_start3A_353 = tpu.memref_slice %arg6[%mul3A_349] : memref<1048576xf32, #tpu.memory_space<hbm>> -> memref<64xf32, #tpu.memory_space<hbm>>
          %dma_start3A_354 = arith.constant 0 : i32
          %dma_start3A_355 = tpu.memref_slice %arg12[%rem3A_304, %dma_start3A_354] : memref<128x64xf32, #tpu.memory_space<vmem>> -> memref<1x64xf32, #tpu.memory_space<vmem>>
          %dma_start3A_356 = tpu.memref_squeeze %dma_start3A_355 : memref<1x64xf32, #tpu.memory_space<vmem>> -> memref<64xf32, #tpu.memory_space<vmem>>
          tpu.enqueue_dma source(%dma_start3A_356 : memref<64xf32, #tpu.memory_space<vmem>>) target(%dma_start3A_353 : memref<64xf32, #tpu.memory_space<hbm>>) target_semaphore(%arg19 : memref<!tpu.dma_semaphore, #tpu.memory_space<semaphore_mem>>)
          %add3A_357 = arith.constant 1 : i32
          %add3A_358 = arith.addi %while3A_251, %add3A_357 : i32
          scf.yield %add3A_358 : i32
        }
        %while3A_248 = arith.constant 1 : i32
        %while3A_249 = scf.for %while3A_250 = %while3A_245 to %while3A_241 step %while3A_248 iter_args(%while3A_251 = %while3A_247) -> (i32)  : i32 {
          %broadcast_in_dim3A = vector.broadcast %while3A_250 : i32 to vector<16xi32>
          %gather3A = tpu.vector_load_idx %arg13[%broadcast_in_dim3A] : memref<16xi32, #tpu.memory_space<vmem>>[vector<16xi32>], vector<16xi32>,
          %gather3A_252 = tpu.vector_load_idx %arg14[%broadcast_in_dim3A] : memref<16xi32, #tpu.memory_space<vmem>>[vector<16xi32>], vector<16xi32>,
          %sub3A_253 = vector.broadcast %mul3A_188 : i32 to vector<16xi32>
          %sub3A_254 = arith.subi %gather3A, %sub3A_253 : vector<16xi32>
          %gather3A_255 = tpu.vector_load_idx %arg11[%add3A_88, %sub3A_254] : memref<64x512xf32, #tpu.memory_space<vmem>>[vector<16xi32>, vector<16xi32>], vector<16xf32>,
          %gather3A_256 = tpu.vector_load_idx %arg11[%add3A_91, %sub3A_254] : memref<64x512xf32, #tpu.memory_space<vmem>>[vector<16xi32>, vector<16xi32>], vector<16xf32>,
          %gather3A_257 = tpu.vector_load_idx %arg11[%add3A_94, %sub3A_254] : memref<64x512xf32, #tpu.memory_space<vmem>>[vector<16xi32>, vector<16xi32>], vector<16xf32>,
          %gather3A_258 = tpu.vector_load_idx %arg11[%add3A_97, %sub3A_254] : memref<64x512xf32, #tpu.memory_space<vmem>>[vector<16xi32>, vector<16xi32>], vector<16xf32>,
          %add3A_259 = arith.addf %gather3A_255, %gather3A_256 : vector<16xf32>
          %add3A_260 = arith.addf %gather3A_257, %gather3A_258 : vector<16xf32>
          %add3A_261 = arith.addf %add3A_259, %add3A_260 : vector<16xf32>
          %mul3A_262 = arith.mulf %gather3A_255, %gather3A_255 : vector<16xf32>
          %mul3A_263 = arith.mulf %gather3A_256, %gather3A_256 : vector<16xf32>
          %add3A_264 = arith.addf %mul3A_262, %mul3A_263 : vector<16xf32>
          %mul3A_265 = arith.mulf %gather3A_257, %gather3A_257 : vector<16xf32>
          %mul3A_266 = arith.mulf %gather3A_258, %gather3A_258 : vector<16xf32>
          %add3A_267 = arith.addf %mul3A_265, %mul3A_266 : vector<16xf32>
          %add3A_268 = arith.addf %add3A_264, %add3A_267 : vector<16xf32>
          %reduce_sum3A = arith.constant true
          %reduce_sum3A_269 = vector.broadcast %reduce_sum3A : i1 to vector<16xi1>
          %reduce_sum3A_270 = tpu.scan <sum>, %add3A_261 masked %reduce_sum3A_269 : vector<16xf32>, vector<16xi1> -> vector<16xf32>
          %reduce_sum3A_271 = vector.extract %reduce_sum3A_270[15] : f32 from vector<16xf32>
          %mul3A_272 = arith.mulf %reduce_sum3A_271, %scan3A_98 : f32
          %reduce_sum3A_273 = arith.constant true
          %reduce_sum3A_274 = vector.broadcast %reduce_sum3A_273 : i1 to vector<16xi1>
          %reduce_sum3A_275 = tpu.scan <sum>, %add3A_268 masked %reduce_sum3A_274 : vector<16xf32>, vector<16xi1> -> vector<16xf32>
          %reduce_sum3A_276 = vector.extract %reduce_sum3A_275[15] : f32 from vector<16xf32>
          %mul3A_277 = arith.mulf %reduce_sum3A_276, %scan3A_98 : f32
          %mul3A_278 = arith.mulf %mul3A_272, %mul3A_272 : f32
          %sub3A_279 = arith.subf %mul3A_277, %mul3A_278 : f32
          %add3A_280 = arith.constant 9.99999974E-6 : f32
          %add3A_281 = arith.addf %sub3A_279, %add3A_280 : f32
          %bitcast_convert_type3A = arith.bitcast %add3A_281 : f32 to i32
          %shift_right_arithmetic3A = arith.constant 1 : i32
          %shift_right_arithmetic3A_282 = arith.shrsi %bitcast_convert_type3A, %shift_right_arithmetic3A : i32
          %sub3A_283 = arith.constant 1597463007 : i32
          %sub3A_284 = arith.subi %sub3A_283, %shift_right_arithmetic3A_282 : i32
          %bitcast_convert_type3A_285 = arith.bitcast %sub3A_284 : i32 to f32
          %mul3A_286 = arith.constant 5.000000e-01 : f32
          %mul3A_287 = arith.mulf %mul3A_286, %add3A_281 : f32
          %mul3A_288 = arith.mulf %mul3A_287, %bitcast_convert_type3A_285 : f32
          %mul3A_289 = arith.mulf %mul3A_288, %bitcast_convert_type3A_285 : f32
          %sub3A_290 = arith.constant 1.500000e+00 : f32
          %sub3A_291 = arith.subf %sub3A_290, %mul3A_289 : f32
          %mul3A_292 = arith.mulf %bitcast_convert_type3A_285, %sub3A_291 : f32
          %mul3A_293 = arith.mulf %mul3A_287, %mul3A_292 : f32
          %mul3A_294 = arith.mulf %mul3A_293, %mul3A_292 : f32
          %sub3A_295 = arith.constant 1.500000e+00 : f32
          %sub3A_296 = arith.subf %sub3A_295, %mul3A_294 : f32
          %mul3A_297 = arith.mulf %mul3A_292, %sub3A_296 : f32
          %mul3A_298 = arith.mulf %mul3A_287, %mul3A_297 : f32
          %mul3A_299 = arith.mulf %mul3A_298, %mul3A_297 : f32
          %sub3A_300 = arith.constant 1.500000e+00 : f32
          %sub3A_301 = arith.subf %sub3A_300, %mul3A_299 : f32
          %mul3A_302 = arith.mulf %mul3A_297, %sub3A_301 : f32
          %rem3A_303 = arith.constant 128 : i32
          %rem3A_304 = arith.remsi %while3A_251, %rem3A_303 : i32
          %ge3A_305 = arith.constant 128 : i32
          %ge3A_306 = arith.cmpi sge, %while3A_251, %ge3A_305 : i32
          %convert_element_type3A_307 = arith.extui %ge3A_306 : i1 to i32
          %cond3A_308 = arith.constant 0 : i32
          %cond3A_309 = arith.cmpi ne, %convert_element_type3A_307, %cond3A_308 : i32
          scf.if %cond3A_309 {
            %dma_wait3A = arith.constant 0 : i32
            %dma_wait3A_359 = arith.constant 0 : i32
            %dma_wait3A_360 = tpu.memref_slice %arg12[%dma_wait3A, %dma_wait3A_359] : memref<128x64xf32, #tpu.memory_space<vmem>> -> memref<1x64xf32, #tpu.memory_space<vmem>>
            %dma_wait3A_361 = tpu.memref_squeeze %dma_wait3A_360 : memref<1x64xf32, #tpu.memory_space<vmem>> -> memref<64xf32, #tpu.memory_space<vmem>>
            %dma_wait3A_362 = arith.constant 0 : i32
            %dma_wait3A_363 = tpu.memref_slice %arg6[%dma_wait3A_362] : memref<1048576xf32, #tpu.memory_space<hbm>> -> memref<64xf32, #tpu.memory_space<hbm>>
            %dma_wait3A_364 = arith.constant 0 : i32
            %dma_wait3A_365 = tpu.memref_slice %arg6[%dma_wait3A_364] : memref<1048576xf32, #tpu.memory_space<hbm>> -> memref<64xf32, #tpu.memory_space<hbm>>
            %dma_wait3A_366 = arith.constant 0 : i32
            %dma_wait3A_367 = tpu.memref_slice %arg12[%dma_wait3A, %dma_wait3A_366] : memref<128x64xf32, #tpu.memory_space<vmem>> -> memref<1x64xf32, #tpu.memory_space<vmem>>
            %dma_wait3A_368 = tpu.memref_squeeze %dma_wait3A_367 : memref<1x64xf32, #tpu.memory_space<vmem>> -> memref<64xf32, #tpu.memory_space<vmem>>
            tpu.wait_dma2 semaphore(%arg19 : memref<!tpu.dma_semaphore, #tpu.memory_space<semaphore_mem>>) src(%dma_wait3A_368 : memref<64xf32, #tpu.memory_space<vmem>>) dst(%dma_wait3A_365 : memref<64xf32, #tpu.memory_space<hbm>>)
          } else {
          }
          %sub3A_310 = vector.broadcast %mul3A_272 : f32 to vector<16xf32>
          %sub3A_311 = arith.subf %gather3A_255, %sub3A_310 : vector<16xf32>
          %mul3A_312 = vector.broadcast %mul3A_302 : f32 to vector<16xf32>
          %mul3A_313 = arith.mulf %mul3A_312, %get3A_71 : vector<16xf32>
          %mul3A_314 = arith.mulf %sub3A_311, %mul3A_313 : vector<16xf32>
          %add3A_315 = arith.addf %mul3A_314, %get3A_79 : vector<16xf32>
          %swap3A_316 = arith.index_cast %rem3A_304 : i32 to index
          %swap3A_317 = arith.constant 0 : index
          %swap3A_318 = tpu.vector_load %arg12[%swap3A_316, %swap3A_317] {strides = array<i32>} : memref<128x64xf32, #tpu.memory_space<vmem>>, vector<16xf32>,
          tpu.vector_store %arg12[%swap3A_316, %swap3A_317], %add3A_315 {strides = array<i32>} : memref<128x64xf32, #tpu.memory_space<vmem>>, vector<16xf32>,
          %sub3A_319 = vector.broadcast %mul3A_272 : f32 to vector<16xf32>
          %sub3A_320 = arith.subf %gather3A_256, %sub3A_319 : vector<16xf32>
          %mul3A_321 = vector.broadcast %mul3A_302 : f32 to vector<16xf32>
          %mul3A_322 = arith.mulf %mul3A_321, %get3A_73 : vector<16xf32>
          %mul3A_323 = arith.mulf %sub3A_320, %mul3A_322 : vector<16xf32>
          %add3A_324 = arith.addf %mul3A_323, %get3A_81 : vector<16xf32>
          %swap3A_325 = arith.index_cast %rem3A_304 : i32 to index
          %swap3A_326 = arith.constant 16 : index
          %swap3A_327 = tpu.vector_load %arg12[%swap3A_325, %swap3A_326] {strides = array<i32>} : memref<128x64xf32, #tpu.memory_space<vmem>>, vector<16xf32>,
          tpu.vector_store %arg12[%swap3A_325, %swap3A_326], %add3A_324 {strides = array<i32>} : memref<128x64xf32, #tpu.memory_space<vmem>>, vector<16xf32>,
          %sub3A_328 = vector.broadcast %mul3A_272 : f32 to vector<16xf32>
          %sub3A_329 = arith.subf %gather3A_257, %sub3A_328 : vector<16xf32>
          %mul3A_330 = vector.broadcast %mul3A_302 : f32 to vector<16xf32>
          %mul3A_331 = arith.mulf %mul3A_330, %get3A_75 : vector<16xf32>
          %mul3A_332 = arith.mulf %sub3A_329, %mul3A_331 : vector<16xf32>
          %add3A_333 = arith.addf %mul3A_332, %get3A_83 : vector<16xf32>
          %swap3A_334 = arith.index_cast %rem3A_304 : i32 to index
          %swap3A_335 = arith.constant 32 : index
          %swap3A_336 = tpu.vector_load %arg12[%swap3A_334, %swap3A_335] {strides = array<i32>} : memref<128x64xf32, #tpu.memory_space<vmem>>, vector<16xf32>,
          tpu.vector_store %arg12[%swap3A_334, %swap3A_335], %add3A_333 {strides = array<i32>} : memref<128x64xf32, #tpu.memory_space<vmem>>, vector<16xf32>,
          %sub3A_337 = vector.broadcast %mul3A_272 : f32 to vector<16xf32>
          %sub3A_338 = arith.subf %gather3A_258, %sub3A_337 : vector<16xf32>
          %mul3A_339 = vector.broadcast %mul3A_302 : f32 to vector<16xf32>
          %mul3A_340 = arith.mulf %mul3A_339, %get3A_77 : vector<16xf32>
          %mul3A_341 = arith.mulf %sub3A_338, %mul3A_340 : vector<16xf32>
          %add3A_342 = arith.addf %mul3A_341, %get3A_85 : vector<16xf32>
          %swap3A_343 = arith.index_cast %rem3A_304 : i32 to index
          %swap3A_344 = arith.constant 48 : index
          %swap3A_345 = tpu.vector_load %arg12[%swap3A_343, %swap3A_344] {strides = array<i32>} : memref<128x64xf32, #tpu.memory_space<vmem>>, vector<16xf32>,
          tpu.vector_store %arg12[%swap3A_343, %swap3A_344], %add3A_342 {strides = array<i32>} : memref<128x64xf32, #tpu.memory_space<vmem>>, vector<16xf32>,
          %slice3A_346 = vector.extract_strided_slice %gather3A_252 {offsets = [0], sizes = [1], strides = [1]} : vector<16xi32> to vector<1xi32>
          %squeeze3A_347 = vector.extract %slice3A_346[0] : i32 from vector<1xi32>
          %mul3A_348 = arith.constant 64 : i32
          %mul3A_349 = arith.muli %squeeze3A_347, %mul3A_348 : i32
          %dma_start3A = arith.constant 0 : i32
          %dma_start3A_350 = tpu.memref_slice %arg12[%rem3A_304, %dma_start3A] : memref<128x64xf32, #tpu.memory_space<vmem>> -> memref<1x64xf32, #tpu.memory_space<vmem>>
          %dma_start3A_351 = tpu.memref_squeeze %dma_start3A_350 : memref<1x64xf32, #tpu.memory_space<vmem>> -> memref<64xf32, #tpu.memory_space<vmem>>
          %dma_start3A_352 = tpu.memref_slice %arg6[%mul3A_349] : memref<1048576xf32, #tpu.memory_space<hbm>> -> memref<64xf32, #tpu.memory_space<hbm>>
          %dma_start3A_353 = tpu.memref_slice %arg6[%mul3A_349] : memref<1048576xf32, #tpu.memory_space<hbm>> -> memref<64xf32, #tpu.memory_space<hbm>>
          %dma_start3A_354 = arith.constant 0 : i32
          %dma_start3A_355 = tpu.memref_slice %arg12[%rem3A_304, %dma_start3A_354] : memref<128x64xf32, #tpu.memory_space<vmem>> -> memref<1x64xf32, #tpu.memory_space<vmem>>
          %dma_start3A_356 = tpu.memref_squeeze %dma_start3A_355 : memref<1x64xf32, #tpu.memory_space<vmem>> -> memref<64xf32, #tpu.memory_space<vmem>>
          tpu.enqueue_dma source(%dma_start3A_356 : memref<64xf32, #tpu.memory_space<vmem>>) target(%dma_start3A_353 : memref<64xf32, #tpu.memory_space<hbm>>) target_semaphore(%arg19 : memref<!tpu.dma_semaphore, #tpu.memory_space<semaphore_mem>>)
          %add3A_357 = arith.constant 1 : i32
          %add3A_358 = arith.addi %while3A_251, %add3A_357 : i32
          scf.yield %add3A_358 : i32
        }
        scf.yield %while3A_249 : i32
      }
      %while3A_202 = arith.constant 1 : i32
      %while3A_203 = scf.for %while3A_222 = %while3A_199 to %while3A_195 step %while3A_202 iter_args(%while3A_223 = %while3A_201) -> (i32)  : i32 {
        %mul3A_224 = arith.constant 16 : i32
        %mul3A_225 = arith.muli %while3A_222, %mul3A_224 : i32
        %get3A_226 = arith.index_cast %mul3A_225 : i32 to index
        %get3A_227 = tpu.vector_load %arg8[%get3A_226] {strides = array<i32>} : memref<4096xi32, #tpu.memory_space<vmem>>, vector<16xi32>,
        %mul3A_228 = arith.constant 16 : i32
        %mul3A_229 = arith.muli %while3A_222, %mul3A_228 : i32
        %get3A_230 = arith.index_cast %mul3A_229 : i32 to index
        %get3A_231 = tpu.vector_load %arg9[%get3A_230] {strides = array<i32>} : memref<4096xi32, #tpu.memory_space<vmem>>, vector<16xi32>,
        %ge3A = vector.broadcast %mul3A_188 : i32 to vector<16xi32>
        %ge3A_232 = arith.cmpi sge, %get3A_227, %ge3A : vector<16xi32>
        %lt3A_233 = vector.broadcast %add3A_190 : i32 to vector<16xi32>
        %lt3A_234 = arith.cmpi slt, %get3A_227, %lt3A_233 : vector<16xi32>
        %and3A_235 = arith.andi %ge3A_232, %lt3A_234 : vector<16xi1>
        %swap3A = arith.constant 0 : index
        %swap3A_236 = tpu.vector_load %arg13[%swap3A] masked %and3A_235 {strides = array<i32>} : memref<16xi32, #tpu.memory_space<vmem>>, vector<16xi32>, vector<16xi1>
        tpu.vector_store %arg13[%swap3A], %get3A_227 masked %and3A_235 {strides = array<i32>} : memref<16xi32, #tpu.memory_space<vmem>>, vector<16xi32>, vector<16xi1>
        %swap3A_237 = arith.constant 0 : index
        %swap3A_238 = tpu.vector_load %arg14[%swap3A_237] masked %and3A_235 {strides = array<i32>} : memref<16xi32, #tpu.memory_space<vmem>>, vector<16xi32>, vector<16xi1>
        tpu.vector_store %arg14[%swap3A_237], %get3A_231 masked %and3A_235 {strides = array<i32>} : memref<16xi32, #tpu.memory_space<vmem>>, vector<16xi32>, vector<16xi1>
        %all_reduce_population_count3A = tpu.all_reduce %and3A_235 {dim = 0 : i64, kind = #tpu.reduction_kind<sum>} : vector<16xi1> -> vector<16xi32>
        %slice3A = vector.extract_strided_slice %all_reduce_population_count3A {offsets = [0], sizes = [1], strides = [1]} : vector<16xi32> to vector<1xi32>
        %squeeze3A = vector.extract %slice3A[0] : i32 from vector<1xi32>
        %while3A_239 = arith.constant 0 : i32
        %while3A_240 = arith.subi %squeeze3A, %while3A_239 : i32
        %while3A_241 = arith.addi %while3A_239, %while3A_240 : i32
        %while3A_242 = arith.constant 1 : i32
        %while3A_243 = arith.divsi %while3A_240, %while3A_242 : i32
        %while3A_244 = arith.muli %while3A_243, %while3A_242 : i32
        %while3A_245 = arith.addi %while3A_239, %while3A_244 : i32
        %while3A_246 = arith.constant 1 : i32
        %while3A_247 = scf.for %while3A_250 = %while3A_239 to %while3A_245 step %while3A_246 iter_args(%while3A_251 = %while3A_223) -> (i32)  : i32 {
          %broadcast_in_dim3A = vector.broadcast %while3A_250 : i32 to vector<16xi32>
          %gather3A = tpu.vector_load_idx %arg13[%broadcast_in_dim3A] : memref<16xi32, #tpu.memory_space<vmem>>[vector<16xi32>], vector<16xi32>,
          %gather3A_252 = tpu.vector_load_idx %arg14[%broadcast_in_dim3A] : memref<16xi32, #tpu.memory_space<vmem>>[vector<16xi32>], vector<16xi32>,
          %sub3A_253 = vector.broadcast %mul3A_188 : i32 to vector<16xi32>
          %sub3A_254 = arith.subi %gather3A, %sub3A_253 : vector<16xi32>
          %gather3A_255 = tpu.vector_load_idx %arg11[%add3A_88, %sub3A_254] : memref<64x512xf32, #tpu.memory_space<vmem>>[vector<16xi32>, vector<16xi32>], vector<16xf32>,
          %gather3A_256 = tpu.vector_load_idx %arg11[%add3A_91, %sub3A_254] : memref<64x512xf32, #tpu.memory_space<vmem>>[vector<16xi32>, vector<16xi32>], vector<16xf32>,
          %gather3A_257 = tpu.vector_load_idx %arg11[%add3A_94, %sub3A_254] : memref<64x512xf32, #tpu.memory_space<vmem>>[vector<16xi32>, vector<16xi32>], vector<16xf32>,
          %gather3A_258 = tpu.vector_load_idx %arg11[%add3A_97, %sub3A_254] : memref<64x512xf32, #tpu.memory_space<vmem>>[vector<16xi32>, vector<16xi32>], vector<16xf32>,
          %add3A_259 = arith.addf %gather3A_255, %gather3A_256 : vector<16xf32>
          %add3A_260 = arith.addf %gather3A_257, %gather3A_258 : vector<16xf32>
          %add3A_261 = arith.addf %add3A_259, %add3A_260 : vector<16xf32>
          %mul3A_262 = arith.mulf %gather3A_255, %gather3A_255 : vector<16xf32>
          %mul3A_263 = arith.mulf %gather3A_256, %gather3A_256 : vector<16xf32>
          %add3A_264 = arith.addf %mul3A_262, %mul3A_263 : vector<16xf32>
          %mul3A_265 = arith.mulf %gather3A_257, %gather3A_257 : vector<16xf32>
          %mul3A_266 = arith.mulf %gather3A_258, %gather3A_258 : vector<16xf32>
          %add3A_267 = arith.addf %mul3A_265, %mul3A_266 : vector<16xf32>
          %add3A_268 = arith.addf %add3A_264, %add3A_267 : vector<16xf32>
          %reduce_sum3A = arith.constant true
          %reduce_sum3A_269 = vector.broadcast %reduce_sum3A : i1 to vector<16xi1>
          %reduce_sum3A_270 = tpu.scan <sum>, %add3A_261 masked %reduce_sum3A_269 : vector<16xf32>, vector<16xi1> -> vector<16xf32>
          %reduce_sum3A_271 = vector.extract %reduce_sum3A_270[15] : f32 from vector<16xf32>
          %mul3A_272 = arith.mulf %reduce_sum3A_271, %scan3A_98 : f32
          %reduce_sum3A_273 = arith.constant true
          %reduce_sum3A_274 = vector.broadcast %reduce_sum3A_273 : i1 to vector<16xi1>
          %reduce_sum3A_275 = tpu.scan <sum>, %add3A_268 masked %reduce_sum3A_274 : vector<16xf32>, vector<16xi1> -> vector<16xf32>
          %reduce_sum3A_276 = vector.extract %reduce_sum3A_275[15] : f32 from vector<16xf32>
          %mul3A_277 = arith.mulf %reduce_sum3A_276, %scan3A_98 : f32
          %mul3A_278 = arith.mulf %mul3A_272, %mul3A_272 : f32
          %sub3A_279 = arith.subf %mul3A_277, %mul3A_278 : f32
          %add3A_280 = arith.constant 9.99999974E-6 : f32
          %add3A_281 = arith.addf %sub3A_279, %add3A_280 : f32
          %bitcast_convert_type3A = arith.bitcast %add3A_281 : f32 to i32
          %shift_right_arithmetic3A = arith.constant 1 : i32
          %shift_right_arithmetic3A_282 = arith.shrsi %bitcast_convert_type3A, %shift_right_arithmetic3A : i32
          %sub3A_283 = arith.constant 1597463007 : i32
          %sub3A_284 = arith.subi %sub3A_283, %shift_right_arithmetic3A_282 : i32
          %bitcast_convert_type3A_285 = arith.bitcast %sub3A_284 : i32 to f32
          %mul3A_286 = arith.constant 5.000000e-01 : f32
          %mul3A_287 = arith.mulf %mul3A_286, %add3A_281 : f32
          %mul3A_288 = arith.mulf %mul3A_287, %bitcast_convert_type3A_285 : f32
          %mul3A_289 = arith.mulf %mul3A_288, %bitcast_convert_type3A_285 : f32
          %sub3A_290 = arith.constant 1.500000e+00 : f32
          %sub3A_291 = arith.subf %sub3A_290, %mul3A_289 : f32
          %mul3A_292 = arith.mulf %bitcast_convert_type3A_285, %sub3A_291 : f32
          %mul3A_293 = arith.mulf %mul3A_287, %mul3A_292 : f32
          %mul3A_294 = arith.mulf %mul3A_293, %mul3A_292 : f32
          %sub3A_295 = arith.constant 1.500000e+00 : f32
          %sub3A_296 = arith.subf %sub3A_295, %mul3A_294 : f32
          %mul3A_297 = arith.mulf %mul3A_292, %sub3A_296 : f32
          %mul3A_298 = arith.mulf %mul3A_287, %mul3A_297 : f32
          %mul3A_299 = arith.mulf %mul3A_298, %mul3A_297 : f32
          %sub3A_300 = arith.constant 1.500000e+00 : f32
          %sub3A_301 = arith.subf %sub3A_300, %mul3A_299 : f32
          %mul3A_302 = arith.mulf %mul3A_297, %sub3A_301 : f32
          %rem3A_303 = arith.constant 128 : i32
          %rem3A_304 = arith.remsi %while3A_251, %rem3A_303 : i32
          %ge3A_305 = arith.constant 128 : i32
          %ge3A_306 = arith.cmpi sge, %while3A_251, %ge3A_305 : i32
          %convert_element_type3A_307 = arith.extui %ge3A_306 : i1 to i32
          %cond3A_308 = arith.constant 0 : i32
          %cond3A_309 = arith.cmpi ne, %convert_element_type3A_307, %cond3A_308 : i32
          scf.if %cond3A_309 {
            %dma_wait3A = arith.constant 0 : i32
            %dma_wait3A_359 = arith.constant 0 : i32
            %dma_wait3A_360 = tpu.memref_slice %arg12[%dma_wait3A, %dma_wait3A_359] : memref<128x64xf32, #tpu.memory_space<vmem>> -> memref<1x64xf32, #tpu.memory_space<vmem>>
            %dma_wait3A_361 = tpu.memref_squeeze %dma_wait3A_360 : memref<1x64xf32, #tpu.memory_space<vmem>> -> memref<64xf32, #tpu.memory_space<vmem>>
            %dma_wait3A_362 = arith.constant 0 : i32
            %dma_wait3A_363 = tpu.memref_slice %arg6[%dma_wait3A_362] : memref<1048576xf32, #tpu.memory_space<hbm>> -> memref<64xf32, #tpu.memory_space<hbm>>
            %dma_wait3A_364 = arith.constant 0 : i32
            %dma_wait3A_365 = tpu.memref_slice %arg6[%dma_wait3A_364] : memref<1048576xf32, #tpu.memory_space<hbm>> -> memref<64xf32, #tpu.memory_space<hbm>>
            %dma_wait3A_366 = arith.constant 0 : i32
            %dma_wait3A_367 = tpu.memref_slice %arg12[%dma_wait3A, %dma_wait3A_366] : memref<128x64xf32, #tpu.memory_space<vmem>> -> memref<1x64xf32, #tpu.memory_space<vmem>>
            %dma_wait3A_368 = tpu.memref_squeeze %dma_wait3A_367 : memref<1x64xf32, #tpu.memory_space<vmem>> -> memref<64xf32, #tpu.memory_space<vmem>>
            tpu.wait_dma2 semaphore(%arg19 : memref<!tpu.dma_semaphore, #tpu.memory_space<semaphore_mem>>) src(%dma_wait3A_368 : memref<64xf32, #tpu.memory_space<vmem>>) dst(%dma_wait3A_365 : memref<64xf32, #tpu.memory_space<hbm>>)
          } else {
          }
          %sub3A_310 = vector.broadcast %mul3A_272 : f32 to vector<16xf32>
          %sub3A_311 = arith.subf %gather3A_255, %sub3A_310 : vector<16xf32>
          %mul3A_312 = vector.broadcast %mul3A_302 : f32 to vector<16xf32>
          %mul3A_313 = arith.mulf %mul3A_312, %get3A_71 : vector<16xf32>
          %mul3A_314 = arith.mulf %sub3A_311, %mul3A_313 : vector<16xf32>
          %add3A_315 = arith.addf %mul3A_314, %get3A_79 : vector<16xf32>
          %swap3A_316 = arith.index_cast %rem3A_304 : i32 to index
          %swap3A_317 = arith.constant 0 : index
          %swap3A_318 = tpu.vector_load %arg12[%swap3A_316, %swap3A_317] {strides = array<i32>} : memref<128x64xf32, #tpu.memory_space<vmem>>, vector<16xf32>,
          tpu.vector_store %arg12[%swap3A_316, %swap3A_317], %add3A_315 {strides = array<i32>} : memref<128x64xf32, #tpu.memory_space<vmem>>, vector<16xf32>,
          %sub3A_319 = vector.broadcast %mul3A_272 : f32 to vector<16xf32>
          %sub3A_320 = arith.subf %gather3A_256, %sub3A_319 : vector<16xf32>
          %mul3A_321 = vector.broadcast %mul3A_302 : f32 to vector<16xf32>
          %mul3A_322 = arith.mulf %mul3A_321, %get3A_73 : vector<16xf32>
          %mul3A_323 = arith.mulf %sub3A_320, %mul3A_322 : vector<16xf32>
          %add3A_324 = arith.addf %mul3A_323, %get3A_81 : vector<16xf32>
          %swap3A_325 = arith.index_cast %rem3A_304 : i32 to index
          %swap3A_326 = arith.constant 16 : index
          %swap3A_327 = tpu.vector_load %arg12[%swap3A_325, %swap3A_326] {strides = array<i32>} : memref<128x64xf32, #tpu.memory_space<vmem>>, vector<16xf32>,
          tpu.vector_store %arg12[%swap3A_325, %swap3A_326], %add3A_324 {strides = array<i32>} : memref<128x64xf32, #tpu.memory_space<vmem>>, vector<16xf32>,
          %sub3A_328 = vector.broadcast %mul3A_272 : f32 to vector<16xf32>
          %sub3A_329 = arith.subf %gather3A_257, %sub3A_328 : vector<16xf32>
          %mul3A_330 = vector.broadcast %mul3A_302 : f32 to vector<16xf32>
          %mul3A_331 = arith.mulf %mul3A_330, %get3A_75 : vector<16xf32>
          %mul3A_332 = arith.mulf %sub3A_329, %mul3A_331 : vector<16xf32>
          %add3A_333 = arith.addf %mul3A_332, %get3A_83 : vector<16xf32>
          %swap3A_334 = arith.index_cast %rem3A_304 : i32 to index
          %swap3A_335 = arith.constant 32 : index
          %swap3A_336 = tpu.vector_load %arg12[%swap3A_334, %swap3A_335] {strides = array<i32>} : memref<128x64xf32, #tpu.memory_space<vmem>>, vector<16xf32>,
          tpu.vector_store %arg12[%swap3A_334, %swap3A_335], %add3A_333 {strides = array<i32>} : memref<128x64xf32, #tpu.memory_space<vmem>>, vector<16xf32>,
          %sub3A_337 = vector.broadcast %mul3A_272 : f32 to vector<16xf32>
          %sub3A_338 = arith.subf %gather3A_258, %sub3A_337 : vector<16xf32>
          %mul3A_339 = vector.broadcast %mul3A_302 : f32 to vector<16xf32>
          %mul3A_340 = arith.mulf %mul3A_339, %get3A_77 : vector<16xf32>
          %mul3A_341 = arith.mulf %sub3A_338, %mul3A_340 : vector<16xf32>
          %add3A_342 = arith.addf %mul3A_341, %get3A_85 : vector<16xf32>
          %swap3A_343 = arith.index_cast %rem3A_304 : i32 to index
          %swap3A_344 = arith.constant 48 : index
          %swap3A_345 = tpu.vector_load %arg12[%swap3A_343, %swap3A_344] {strides = array<i32>} : memref<128x64xf32, #tpu.memory_space<vmem>>, vector<16xf32>,
          tpu.vector_store %arg12[%swap3A_343, %swap3A_344], %add3A_342 {strides = array<i32>} : memref<128x64xf32, #tpu.memory_space<vmem>>, vector<16xf32>,
          %slice3A_346 = vector.extract_strided_slice %gather3A_252 {offsets = [0], sizes = [1], strides = [1]} : vector<16xi32> to vector<1xi32>
          %squeeze3A_347 = vector.extract %slice3A_346[0] : i32 from vector<1xi32>
          %mul3A_348 = arith.constant 64 : i32
          %mul3A_349 = arith.muli %squeeze3A_347, %mul3A_348 : i32
          %dma_start3A = arith.constant 0 : i32
          %dma_start3A_350 = tpu.memref_slice %arg12[%rem3A_304, %dma_start3A] : memref<128x64xf32, #tpu.memory_space<vmem>> -> memref<1x64xf32, #tpu.memory_space<vmem>>
          %dma_start3A_351 = tpu.memref_squeeze %dma_start3A_350 : memref<1x64xf32, #tpu.memory_space<vmem>> -> memref<64xf32, #tpu.memory_space<vmem>>
          %dma_start3A_352 = tpu.memref_slice %arg6[%mul3A_349] : memref<1048576xf32, #tpu.memory_space<hbm>> -> memref<64xf32, #tpu.memory_space<hbm>>
          %dma_start3A_353 = tpu.memref_slice %arg6[%mul3A_349] : memref<1048576xf32, #tpu.memory_space<hbm>> -> memref<64xf32, #tpu.memory_space<hbm>>
          %dma_start3A_354 = arith.constant 0 : i32
          %dma_start3A_355 = tpu.memref_slice %arg12[%rem3A_304, %dma_start3A_354] : memref<128x64xf32, #tpu.memory_space<vmem>> -> memref<1x64xf32, #tpu.memory_space<vmem>>
          %dma_start3A_356 = tpu.memref_squeeze %dma_start3A_355 : memref<1x64xf32, #tpu.memory_space<vmem>> -> memref<64xf32, #tpu.memory_space<vmem>>
          tpu.enqueue_dma source(%dma_start3A_356 : memref<64xf32, #tpu.memory_space<vmem>>) target(%dma_start3A_353 : memref<64xf32, #tpu.memory_space<hbm>>) target_semaphore(%arg19 : memref<!tpu.dma_semaphore, #tpu.memory_space<semaphore_mem>>)
          %add3A_357 = arith.constant 1 : i32
          %add3A_358 = arith.addi %while3A_251, %add3A_357 : i32
          scf.yield %add3A_358 : i32
        }
        %while3A_248 = arith.constant 1 : i32
        %while3A_249 = scf.for %while3A_250 = %while3A_245 to %while3A_241 step %while3A_248 iter_args(%while3A_251 = %while3A_247) -> (i32)  : i32 {
          %broadcast_in_dim3A = vector.broadcast %while3A_250 : i32 to vector<16xi32>
          %gather3A = tpu.vector_load_idx %arg13[%broadcast_in_dim3A] : memref<16xi32, #tpu.memory_space<vmem>>[vector<16xi32>], vector<16xi32>,
          %gather3A_252 = tpu.vector_load_idx %arg14[%broadcast_in_dim3A] : memref<16xi32, #tpu.memory_space<vmem>>[vector<16xi32>], vector<16xi32>,
          %sub3A_253 = vector.broadcast %mul3A_188 : i32 to vector<16xi32>
          %sub3A_254 = arith.subi %gather3A, %sub3A_253 : vector<16xi32>
          %gather3A_255 = tpu.vector_load_idx %arg11[%add3A_88, %sub3A_254] : memref<64x512xf32, #tpu.memory_space<vmem>>[vector<16xi32>, vector<16xi32>], vector<16xf32>,
          %gather3A_256 = tpu.vector_load_idx %arg11[%add3A_91, %sub3A_254] : memref<64x512xf32, #tpu.memory_space<vmem>>[vector<16xi32>, vector<16xi32>], vector<16xf32>,
          %gather3A_257 = tpu.vector_load_idx %arg11[%add3A_94, %sub3A_254] : memref<64x512xf32, #tpu.memory_space<vmem>>[vector<16xi32>, vector<16xi32>], vector<16xf32>,
          %gather3A_258 = tpu.vector_load_idx %arg11[%add3A_97, %sub3A_254] : memref<64x512xf32, #tpu.memory_space<vmem>>[vector<16xi32>, vector<16xi32>], vector<16xf32>,
          %add3A_259 = arith.addf %gather3A_255, %gather3A_256 : vector<16xf32>
          %add3A_260 = arith.addf %gather3A_257, %gather3A_258 : vector<16xf32>
          %add3A_261 = arith.addf %add3A_259, %add3A_260 : vector<16xf32>
          %mul3A_262 = arith.mulf %gather3A_255, %gather3A_255 : vector<16xf32>
          %mul3A_263 = arith.mulf %gather3A_256, %gather3A_256 : vector<16xf32>
          %add3A_264 = arith.addf %mul3A_262, %mul3A_263 : vector<16xf32>
          %mul3A_265 = arith.mulf %gather3A_257, %gather3A_257 : vector<16xf32>
          %mul3A_266 = arith.mulf %gather3A_258, %gather3A_258 : vector<16xf32>
          %add3A_267 = arith.addf %mul3A_265, %mul3A_266 : vector<16xf32>
          %add3A_268 = arith.addf %add3A_264, %add3A_267 : vector<16xf32>
          %reduce_sum3A = arith.constant true
          %reduce_sum3A_269 = vector.broadcast %reduce_sum3A : i1 to vector<16xi1>
          %reduce_sum3A_270 = tpu.scan <sum>, %add3A_261 masked %reduce_sum3A_269 : vector<16xf32>, vector<16xi1> -> vector<16xf32>
          %reduce_sum3A_271 = vector.extract %reduce_sum3A_270[15] : f32 from vector<16xf32>
          %mul3A_272 = arith.mulf %reduce_sum3A_271, %scan3A_98 : f32
          %reduce_sum3A_273 = arith.constant true
          %reduce_sum3A_274 = vector.broadcast %reduce_sum3A_273 : i1 to vector<16xi1>
          %reduce_sum3A_275 = tpu.scan <sum>, %add3A_268 masked %reduce_sum3A_274 : vector<16xf32>, vector<16xi1> -> vector<16xf32>
          %reduce_sum3A_276 = vector.extract %reduce_sum3A_275[15] : f32 from vector<16xf32>
          %mul3A_277 = arith.mulf %reduce_sum3A_276, %scan3A_98 : f32
          %mul3A_278 = arith.mulf %mul3A_272, %mul3A_272 : f32
          %sub3A_279 = arith.subf %mul3A_277, %mul3A_278 : f32
          %add3A_280 = arith.constant 9.99999974E-6 : f32
          %add3A_281 = arith.addf %sub3A_279, %add3A_280 : f32
          %bitcast_convert_type3A = arith.bitcast %add3A_281 : f32 to i32
          %shift_right_arithmetic3A = arith.constant 1 : i32
          %shift_right_arithmetic3A_282 = arith.shrsi %bitcast_convert_type3A, %shift_right_arithmetic3A : i32
          %sub3A_283 = arith.constant 1597463007 : i32
          %sub3A_284 = arith.subi %sub3A_283, %shift_right_arithmetic3A_282 : i32
          %bitcast_convert_type3A_285 = arith.bitcast %sub3A_284 : i32 to f32
          %mul3A_286 = arith.constant 5.000000e-01 : f32
          %mul3A_287 = arith.mulf %mul3A_286, %add3A_281 : f32
          %mul3A_288 = arith.mulf %mul3A_287, %bitcast_convert_type3A_285 : f32
          %mul3A_289 = arith.mulf %mul3A_288, %bitcast_convert_type3A_285 : f32
          %sub3A_290 = arith.constant 1.500000e+00 : f32
          %sub3A_291 = arith.subf %sub3A_290, %mul3A_289 : f32
          %mul3A_292 = arith.mulf %bitcast_convert_type3A_285, %sub3A_291 : f32
          %mul3A_293 = arith.mulf %mul3A_287, %mul3A_292 : f32
          %mul3A_294 = arith.mulf %mul3A_293, %mul3A_292 : f32
          %sub3A_295 = arith.constant 1.500000e+00 : f32
          %sub3A_296 = arith.subf %sub3A_295, %mul3A_294 : f32
          %mul3A_297 = arith.mulf %mul3A_292, %sub3A_296 : f32
          %mul3A_298 = arith.mulf %mul3A_287, %mul3A_297 : f32
          %mul3A_299 = arith.mulf %mul3A_298, %mul3A_297 : f32
          %sub3A_300 = arith.constant 1.500000e+00 : f32
          %sub3A_301 = arith.subf %sub3A_300, %mul3A_299 : f32
          %mul3A_302 = arith.mulf %mul3A_297, %sub3A_301 : f32
          %rem3A_303 = arith.constant 128 : i32
          %rem3A_304 = arith.remsi %while3A_251, %rem3A_303 : i32
          %ge3A_305 = arith.constant 128 : i32
          %ge3A_306 = arith.cmpi sge, %while3A_251, %ge3A_305 : i32
          %convert_element_type3A_307 = arith.extui %ge3A_306 : i1 to i32
          %cond3A_308 = arith.constant 0 : i32
          %cond3A_309 = arith.cmpi ne, %convert_element_type3A_307, %cond3A_308 : i32
          scf.if %cond3A_309 {
            %dma_wait3A = arith.constant 0 : i32
            %dma_wait3A_359 = arith.constant 0 : i32
            %dma_wait3A_360 = tpu.memref_slice %arg12[%dma_wait3A, %dma_wait3A_359] : memref<128x64xf32, #tpu.memory_space<vmem>> -> memref<1x64xf32, #tpu.memory_space<vmem>>
            %dma_wait3A_361 = tpu.memref_squeeze %dma_wait3A_360 : memref<1x64xf32, #tpu.memory_space<vmem>> -> memref<64xf32, #tpu.memory_space<vmem>>
            %dma_wait3A_362 = arith.constant 0 : i32
            %dma_wait3A_363 = tpu.memref_slice %arg6[%dma_wait3A_362] : memref<1048576xf32, #tpu.memory_space<hbm>> -> memref<64xf32, #tpu.memory_space<hbm>>
            %dma_wait3A_364 = arith.constant 0 : i32
            %dma_wait3A_365 = tpu.memref_slice %arg6[%dma_wait3A_364] : memref<1048576xf32, #tpu.memory_space<hbm>> -> memref<64xf32, #tpu.memory_space<hbm>>
            %dma_wait3A_366 = arith.constant 0 : i32
            %dma_wait3A_367 = tpu.memref_slice %arg12[%dma_wait3A, %dma_wait3A_366] : memref<128x64xf32, #tpu.memory_space<vmem>> -> memref<1x64xf32, #tpu.memory_space<vmem>>
            %dma_wait3A_368 = tpu.memref_squeeze %dma_wait3A_367 : memref<1x64xf32, #tpu.memory_space<vmem>> -> memref<64xf32, #tpu.memory_space<vmem>>
            tpu.wait_dma2 semaphore(%arg19 : memref<!tpu.dma_semaphore, #tpu.memory_space<semaphore_mem>>) src(%dma_wait3A_368 : memref<64xf32, #tpu.memory_space<vmem>>) dst(%dma_wait3A_365 : memref<64xf32, #tpu.memory_space<hbm>>)
          } else {
          }
          %sub3A_310 = vector.broadcast %mul3A_272 : f32 to vector<16xf32>
          %sub3A_311 = arith.subf %gather3A_255, %sub3A_310 : vector<16xf32>
          %mul3A_312 = vector.broadcast %mul3A_302 : f32 to vector<16xf32>
          %mul3A_313 = arith.mulf %mul3A_312, %get3A_71 : vector<16xf32>
          %mul3A_314 = arith.mulf %sub3A_311, %mul3A_313 : vector<16xf32>
          %add3A_315 = arith.addf %mul3A_314, %get3A_79 : vector<16xf32>
          %swap3A_316 = arith.index_cast %rem3A_304 : i32 to index
          %swap3A_317 = arith.constant 0 : index
          %swap3A_318 = tpu.vector_load %arg12[%swap3A_316, %swap3A_317] {strides = array<i32>} : memref<128x64xf32, #tpu.memory_space<vmem>>, vector<16xf32>,
          tpu.vector_store %arg12[%swap3A_316, %swap3A_317], %add3A_315 {strides = array<i32>} : memref<128x64xf32, #tpu.memory_space<vmem>>, vector<16xf32>,
          %sub3A_319 = vector.broadcast %mul3A_272 : f32 to vector<16xf32>
          %sub3A_320 = arith.subf %gather3A_256, %sub3A_319 : vector<16xf32>
          %mul3A_321 = vector.broadcast %mul3A_302 : f32 to vector<16xf32>
          %mul3A_322 = arith.mulf %mul3A_321, %get3A_73 : vector<16xf32>
          %mul3A_323 = arith.mulf %sub3A_320, %mul3A_322 : vector<16xf32>
          %add3A_324 = arith.addf %mul3A_323, %get3A_81 : vector<16xf32>
          %swap3A_325 = arith.index_cast %rem3A_304 : i32 to index
          %swap3A_326 = arith.constant 16 : index
          %swap3A_327 = tpu.vector_load %arg12[%swap3A_325, %swap3A_326] {strides = array<i32>} : memref<128x64xf32, #tpu.memory_space<vmem>>, vector<16xf32>,
          tpu.vector_store %arg12[%swap3A_325, %swap3A_326], %add3A_324 {strides = array<i32>} : memref<128x64xf32, #tpu.memory_space<vmem>>, vector<16xf32>,
          %sub3A_328 = vector.broadcast %mul3A_272 : f32 to vector<16xf32>
          %sub3A_329 = arith.subf %gather3A_257, %sub3A_328 : vector<16xf32>
          %mul3A_330 = vector.broadcast %mul3A_302 : f32 to vector<16xf32>
          %mul3A_331 = arith.mulf %mul3A_330, %get3A_75 : vector<16xf32>
          %mul3A_332 = arith.mulf %sub3A_329, %mul3A_331 : vector<16xf32>
          %add3A_333 = arith.addf %mul3A_332, %get3A_83 : vector<16xf32>
          %swap3A_334 = arith.index_cast %rem3A_304 : i32 to index
          %swap3A_335 = arith.constant 32 : index
          %swap3A_336 = tpu.vector_load %arg12[%swap3A_334, %swap3A_335] {strides = array<i32>} : memref<128x64xf32, #tpu.memory_space<vmem>>, vector<16xf32>,
          tpu.vector_store %arg12[%swap3A_334, %swap3A_335], %add3A_333 {strides = array<i32>} : memref<128x64xf32, #tpu.memory_space<vmem>>, vector<16xf32>,
          %sub3A_337 = vector.broadcast %mul3A_272 : f32 to vector<16xf32>
          %sub3A_338 = arith.subf %gather3A_258, %sub3A_337 : vector<16xf32>
          %mul3A_339 = vector.broadcast %mul3A_302 : f32 to vector<16xf32>
          %mul3A_340 = arith.mulf %mul3A_339, %get3A_77 : vector<16xf32>
          %mul3A_341 = arith.mulf %sub3A_338, %mul3A_340 : vector<16xf32>
          %add3A_342 = arith.addf %mul3A_341, %get3A_85 : vector<16xf32>
          %swap3A_343 = arith.index_cast %rem3A_304 : i32 to index
          %swap3A_344 = arith.constant 48 : index
          %swap3A_345 = tpu.vector_load %arg12[%swap3A_343, %swap3A_344] {strides = array<i32>} : memref<128x64xf32, #tpu.memory_space<vmem>>, vector<16xf32>,
          tpu.vector_store %arg12[%swap3A_343, %swap3A_344], %add3A_342 {strides = array<i32>} : memref<128x64xf32, #tpu.memory_space<vmem>>, vector<16xf32>,
          %slice3A_346 = vector.extract_strided_slice %gather3A_252 {offsets = [0], sizes = [1], strides = [1]} : vector<16xi32> to vector<1xi32>
          %squeeze3A_347 = vector.extract %slice3A_346[0] : i32 from vector<1xi32>
          %mul3A_348 = arith.constant 64 : i32
          %mul3A_349 = arith.muli %squeeze3A_347, %mul3A_348 : i32
          %dma_start3A = arith.constant 0 : i32
          %dma_start3A_350 = tpu.memref_slice %arg12[%rem3A_304, %dma_start3A] : memref<128x64xf32, #tpu.memory_space<vmem>> -> memref<1x64xf32, #tpu.memory_space<vmem>>
          %dma_start3A_351 = tpu.memref_squeeze %dma_start3A_350 : memref<1x64xf32, #tpu.memory_space<vmem>> -> memref<64xf32, #tpu.memory_space<vmem>>
          %dma_start3A_352 = tpu.memref_slice %arg6[%mul3A_349] : memref<1048576xf32, #tpu.memory_space<hbm>> -> memref<64xf32, #tpu.memory_space<hbm>>
          %dma_start3A_353 = tpu.memref_slice %arg6[%mul3A_349] : memref<1048576xf32, #tpu.memory_space<hbm>> -> memref<64xf32, #tpu.memory_space<hbm>>
          %dma_start3A_354 = arith.constant 0 : i32
          %dma_start3A_355 = tpu.memref_slice %arg12[%rem3A_304, %dma_start3A_354] : memref<128x64xf32, #tpu.memory_space<vmem>> -> memref<1x64xf32, #tpu.memory_space<vmem>>
          %dma_start3A_356 = tpu.memref_squeeze %dma_start3A_355 : memref<1x64xf32, #tpu.memory_space<vmem>> -> memref<64xf32, #tpu.memory_space<vmem>>
          tpu.enqueue_dma source(%dma_start3A_356 : memref<64xf32, #tpu.memory_space<vmem>>) target(%dma_start3A_353 : memref<64xf32, #tpu.memory_space<hbm>>) target_semaphore(%arg19 : memref<!tpu.dma_semaphore, #tpu.memory_space<semaphore_mem>>)
          %add3A_357 = arith.constant 1 : i32
          %add3A_358 = arith.addi %while3A_251, %add3A_357 : i32
          scf.yield %add3A_358 : i32
        }
        scf.yield %while3A_249 : i32
      }
      %add3A_204 = arith.constant 2 : i32
      %add3A_205 = arith.addi %add3A_123, %add3A_204 : i32
      %lt3A_206 = arith.cmpi slt, %add3A_205, %add3A_9 : i32
      %eq3A_207 = arith.constant 1953 : i32
      %eq3A_208 = arith.cmpi eq, %add3A_205, %eq3A_207 : i32
      %mul3A_209 = arith.constant 512 : i32
      %mul3A_210 = arith.muli %add3A_205, %mul3A_209 : i32
      %multiple_of3A_211 = tpu.assume_multiple %mul3A_210, 512 : i32
      %not3A_212 = arith.constant true
      %not3A_213 = arith.xori %eq3A_208, %not3A_212 : i1
      %and3A_214 = arith.andi %lt3A_206, %not3A_213 : i1
      %convert_element_type3A_215 = arith.extui %and3A_214 : i1 to i32
      %cond3A_216 = arith.constant 0 : i32
      %cond3A_217 = arith.cmpi ne, %convert_element_type3A_215, %cond3A_216 : i32
      scf.if %cond3A_217 {
        %dma_start3A = arith.constant 0 : i32
        %dma_start3A_222 = tpu.memref_slice %arg3[%dma_start3A, %multiple_of3A_211] : memref<64x1000000xf32, #tpu.memory_space<hbm>> -> memref<64x512xf32, #tpu.memory_space<hbm>>
        %dma_start3A_223 = arith.constant 0 : i32
        %dma_start3A_224 = tpu.memref_slice %arg3[%dma_start3A_223, %multiple_of3A_211] : memref<64x1000000xf32, #tpu.memory_space<hbm>> -> memref<64x512xf32, #tpu.memory_space<hbm>>
        tpu.enqueue_dma source(%dma_start3A_224 : memref<64x512xf32, #tpu.memory_space<hbm>>) target(%arg11 : memref<64x512xf32, #tpu.memory_space<vmem>>) target_semaphore(%arg18 : memref<!tpu.dma_semaphore, #tpu.memory_space<semaphore_mem>>)
      } else {
      }
      %and3A_218 = arith.andi %lt3A_206, %eq3A_208 : i1
      %convert_element_type3A_219 = arith.extui %and3A_218 : i1 to i32
      %cond3A_220 = arith.constant 0 : i32
      %cond3A_221 = arith.cmpi ne, %convert_element_type3A_219, %cond3A_220 : i32
      scf.if %cond3A_221 {
        %mul3A_222 = arith.constant 512 : i32
        %mul3A_223 = arith.muli %add3A_205, %mul3A_222 : i32
        %multiple_of3A_224 = tpu.assume_multiple %mul3A_223, 128 : i32
        %dma_start3A = arith.constant 0 : i32
        %dma_start3A_225 = arith.constant 0 : i32
        %dma_start3A_226 = tpu.memref_slice %arg11[%dma_start3A, %dma_start3A_225] : memref<64x512xf32, #tpu.memory_space<vmem>> -> memref<64x128xf32, #tpu.memory_space<vmem>>
        %dma_start3A_227 = arith.constant 0 : i32
        %dma_start3A_228 = tpu.memref_slice %arg3[%dma_start3A_227, %multiple_of3A_224] : memref<64x1000000xf32, #tpu.memory_space<hbm>> -> memref<64x128xf32, #tpu.memory_space<hbm>>
        %dma_start3A_229 = arith.constant 0 : i32
        %dma_start3A_230 = arith.constant 0 : i32
        %dma_start3A_231 = tpu.memref_slice %arg11[%dma_start3A_229, %dma_start3A_230] : memref<64x512xf32, #tpu.memory_space<vmem>> -> memref<64x128xf32, #tpu.memory_space<vmem>>
        %dma_start3A_232 = arith.constant 0 : i32
        %dma_start3A_233 = tpu.memref_slice %arg3[%dma_start3A_232, %multiple_of3A_224] : memref<64x1000000xf32, #tpu.memory_space<hbm>> -> memref<64x128xf32, #tpu.memory_space<hbm>>
        tpu.enqueue_dma source(%dma_start3A_233 : memref<64x128xf32, #tpu.memory_space<hbm>>) target(%dma_start3A_231 : memref<64x128xf32, #tpu.memory_space<vmem>>) target_semaphore(%arg18 : memref<!tpu.dma_semaphore, #tpu.memory_space<semaphore_mem>>)
      } else {
      }
      scf.yield %while3A_203 : i32
    }
    %scan3A_105 = arith.constant 31 : i32
    %min3A_106 = arith.constant 128 : i32
    %min3A_107 = arith.minsi %scan3A_104, %min3A_106 : i32
    %while3A = arith.constant 0 : i32
    %while3A_108 = arith.constant 0 : i32
    %while3A_109 = arith.subi %min3A_107, %while3A_108 : i32
    %while3A_110 = arith.addi %while3A_108, %while3A_109 : i32
    %while3A_111 = arith.constant 1 : i32
    %while3A_112 = arith.divsi %while3A_109, %while3A_111 : i32
    %while3A_113 = arith.muli %while3A_112, %while3A_111 : i32
    %while3A_114 = arith.addi %while3A_108, %while3A_113 : i32
    %while3A_115 = arith.constant 1 : i32
    scf.for %while3A_117 = %while3A_108 to %while3A_114 step %while3A_115  : i32 {
      %dma_wait3A = arith.constant 0 : i32
      %dma_wait3A_118 = arith.constant 0 : i32
      %dma_wait3A_119 = tpu.memref_slice %arg12[%dma_wait3A, %dma_wait3A_118] : memref<128x64xf32, #tpu.memory_space<vmem>> -> memref<1x64xf32, #tpu.memory_space<vmem>>
      %dma_wait3A_120 = tpu.memref_squeeze %dma_wait3A_119 : memref<1x64xf32, #tpu.memory_space<vmem>> -> memref<64xf32, #tpu.memory_space<vmem>>
      %dma_wait3A_121 = arith.constant 0 : i32
      %dma_wait3A_122 = tpu.memref_slice %arg6[%dma_wait3A_121] : memref<1048576xf32, #tpu.memory_space<hbm>> -> memref<64xf32, #tpu.memory_space<hbm>>
      %dma_wait3A_123 = arith.constant 0 : i32
      %dma_wait3A_124 = tpu.memref_slice %arg6[%dma_wait3A_123] : memref<1048576xf32, #tpu.memory_space<hbm>> -> memref<64xf32, #tpu.memory_space<hbm>>
      %dma_wait3A_125 = arith.constant 0 : i32
      %dma_wait3A_126 = tpu.memref_slice %arg12[%dma_wait3A, %dma_wait3A_125] : memref<128x64xf32, #tpu.memory_space<vmem>> -> memref<1x64xf32, #tpu.memory_space<vmem>>
      %dma_wait3A_127 = tpu.memref_squeeze %dma_wait3A_126 : memref<1x64xf32, #tpu.memory_space<vmem>> -> memref<64xf32, #tpu.memory_space<vmem>>
      tpu.wait_dma2 semaphore(%arg19 : memref<!tpu.dma_semaphore, #tpu.memory_space<semaphore_mem>>) src(%dma_wait3A_127 : memref<64xf32, #tpu.memory_space<vmem>>) dst(%dma_wait3A_124 : memref<64xf32, #tpu.memory_space<hbm>>)
    }
    %while3A_116 = arith.constant 1 : i32
    scf.for %while3A_117 = %while3A_114 to %while3A_110 step %while3A_116  : i32 {
      %dma_wait3A = arith.constant 0 : i32
      %dma_wait3A_118 = arith.constant 0 : i32
      %dma_wait3A_119 = tpu.memref_slice %arg12[%dma_wait3A, %dma_wait3A_118] : memref<128x64xf32, #tpu.memory_space<vmem>> -> memref<1x64xf32, #tpu.memory_space<vmem>>
      %dma_wait3A_120 = tpu.memref_squeeze %dma_wait3A_119 : memref<1x64xf32, #tpu.memory_space<vmem>> -> memref<64xf32, #tpu.memory_space<vmem>>
      %dma_wait3A_121 = arith.constant 0 : i32
      %dma_wait3A_122 = tpu.memref_slice %arg6[%dma_wait3A_121] : memref<1048576xf32, #tpu.memory_space<hbm>> -> memref<64xf32, #tpu.memory_space<hbm>>
      %dma_wait3A_123 = arith.constant 0 : i32
      %dma_wait3A_124 = tpu.memref_slice %arg6[%dma_wait3A_123] : memref<1048576xf32, #tpu.memory_space<hbm>> -> memref<64xf32, #tpu.memory_space<hbm>>
      %dma_wait3A_125 = arith.constant 0 : i32
      %dma_wait3A_126 = tpu.memref_slice %arg12[%dma_wait3A, %dma_wait3A_125] : memref<128x64xf32, #tpu.memory_space<vmem>> -> memref<1x64xf32, #tpu.memory_space<vmem>>
      %dma_wait3A_127 = tpu.memref_squeeze %dma_wait3A_126 : memref<1x64xf32, #tpu.memory_space<vmem>> -> memref<64xf32, #tpu.memory_space<vmem>>
      tpu.wait_dma2 semaphore(%arg19 : memref<!tpu.dma_semaphore, #tpu.memory_space<semaphore_mem>>) src(%dma_wait3A_127 : memref<64xf32, #tpu.memory_space<vmem>>) dst(%dma_wait3A_124 : memref<64xf32, #tpu.memory_space<hbm>>)
    }
    return
  }
}

</mosaic_0001>

<sc_bundles>
// kernel: kernel.3.cloned.1.call-start
scs
__scs_entry_jumppad:
0x0: {  	(pc) =	sbr.rel $0x88, $3  }
0x1: {  	(tag) =	ssettag $0x0;
	lr =	simm.s32 $0x1  }
0x2: {  	[smem:$0x3F9D] =	sst lr;
	_ =	strace $0xD0000000  }
0x3: {  	_ = 	snop  }
0x4: {  	_ = 	snop  }
0x5: {  	_ = 	snop  }
0x6: {  	_ = 	snop  }
0x7: {  	_ = 	snop  }
__scs_overlays_trampoline_lowered:
0x8: {  	[smem:$0x3FAC] =	sst s0  }
0x9: {  	[smem:$0x3FAD] =	sst s1  }
0xa: {  	[smem:$0x3FAE] =	sst s2  }
0xb: {  	[smem:$0x3FAF] =	sst s3  }
0xc: {  	[smem:$0x3FB0] =	sst s4  }
0xd: {  	[smem:$0x3FB1] =	sst s5  }
0xe: {  	[smem:$0x3FB2] =	sst s6  }
0xf: {  	[smem:$0x3FB3] =	sst s7  }
0x10: {  	[smem:$0x3FB4] =	sst s8  }
0x11: {  	[smem:$0x3FB5] =	sst s9;
	s0 =	simm.s32 @!p0 $0x0  }
0x12: {  	s1 =	sld [smem:$0x3F9B];
	s0 =	simm.s32 @p0 $0x1  }
0x13: {  	[smem:$0x3FB6] =	sst s0;
	s0 =	simm.s32 @!p1 $0x0  }
0x14: {  	s2 =	sld [smem:$0x3F9A];
	s0 =	simm.s32 @p1 $0x1  }
0x15: {  	[smem:$0x3FB7] =	sst s0;
	s0 =	simm.s32 @!p2 $0x0  }
0x16: {  	s3 =	sld [smem:$0x3FDB];
	s0 =	simm.s32 @p2 $0x1  }
0x17: {  	s4 =	simm.s32 $0x1BF5;
	[smem:$0x3FB9] =	sst s0  }
0x18: {  	s0 =	sld [smem:$0x3F9C];
	_ =	swait.ge [sflag:s4], $0x0  }
0x19: {  	s7 =	sld [smem:$0x3F9D]  }
0x1a: {  	s8 =	sadd.s32 $0xFFFFE003, lr  }
0x1b: {  	s9 =	sadd.s32 $0xFFFFFEF7, lr;
	s5 =	simm.s32 $0xFFFFFFFF;
	p2 =	slt.u32 s8, $0xFFFFF086  }
0x1c: {  	p1 =	slt.u32 s9, $0xF7A;
	s5 =	simm.s32 @!p2 $0x0  }
0x1d: {  	s5 =	simm.s32 @p1 $0x1;
	p0 =	seq.s32 s7, s2  }
0x1e: {  	s7 =	smul.u32 @!p0 $0xF7A, s2;
	p2 =	seq.s32 @!p0 s5, $0x0  }
0x1f: {  	s9 =	smul.u32 $0xF7A, s1;
	s8 =	simm.s32 @!p0 $0x1BF5;
	p2 =	por !p2, p0  }
0x20: {  	[sflag:s8] =	ssyncset.s32 @!p0 $0xFFFFF086;
	s6 =	sadd.s32 @!p0 s3, s7;
	s7 =	simm.s32 @!p0 $0x108  }
0x21: {  	s3 =	sadd.s32 s3, s9;
	s6 =	sadd.s32 @!p0 $0x88, s6;
	s7 =	simm.s32 @p2 $0x1082  }
0x22: {  	[simem:s7], [sflag:s8] =	dma.local @!p0 [hbm:s6], $0xF7A  }
0x23: {  	s9 =	sor.u32 $0xD0000000, s2;
	s6 =	simm.s32 $0x108;
	_ =	swait.ge @!p0 [sflag:s8], $0x0  }
0x24: {  	s3 =	sadd.s32 $0x88, s3;
	s6 =	simm.s32 @!p1 $0x1082;
	[sflag:s4] =	ssyncset.s32 $0xFFFFF086  }
0x25: {  	[simem:s6], [sflag:s4] =	dma.local [hbm:s3], $0xF7A  }
0x26: {  	[smem:$0x3F9D] =	sst s1;
	(tag) =	ssettag s2;
	_ =	strace s9  }
0x27: {  	s1 =	sld [smem:$0x3FAD]  }
0x28: {  	s2 =	sld [smem:$0x3FAE]  }
0x29: {  	s4 =	sld [smem:$0x3FB0]  }
0x2a: {  	p0 =	seq.s32 s5, $0x0;
	s5 =	sld [smem:$0x3FB1]  }
0x2b: {  	s6 =	sld [smem:$0x3FB2]  }
0x2c: {  	s7 =	sld [smem:$0x3FB3]  }
0x2d: {  	s3 =	simm.s32 $0x108;
	s8 =	sld [smem:$0x3FB4]  }
0x2e: {  	s3 =	simm.s32 @!p0 $0x1082;
	s9 =	sld [smem:$0x3FB5]  }
0x2f: {  	lr =	sadd.s32 s0, s3;
	s0 =	sld [smem:$0x3FAC]  }
0x30: {  	s3 =	sld [smem:$0x3FAF]  }
0x31: {  	[smem:$0x3FB8] =	sst s10  }
0x32: {  	s10 =	sld [smem:$0x3FB6];
	_ =	sdelay $0x3  }
0x33: {  	p0 =	seq.s32 s10, $0x1;
	s10 =	sld [smem:$0x3FB8];
	_ =	sdelay $0x3  }
0x34: {  	[smem:$0x3FB8] =	sst s10  }
0x35: {  	s10 =	sld [smem:$0x3FB7];
	_ =	sdelay $0x3  }
0x36: {  	p1 =	seq.s32 s10, $0x1;
	s10 =	sld [smem:$0x3FB8];
	_ =	sdelay $0x3  }
0x37: {  	[smem:$0x3FB8] =	sst s10  }
0x38: {  	s10 =	sld [smem:$0x3FB9]  }
0x39: {  	_ = 	snop;
	(pc) =	sbr.ind lr, $3  }
0x3a: {  	_ = 	snop  }
0x3b: {  	_ = 	snop  }
0x3c: {  	p2 =	seq.s32 s10, $0x1;
	s10 =	sld [smem:$0x3FB8]  }
0x3d: {  	_ =	shalt  }
0x3e: {  	_ =	shalt  }
0x3f: {  	_ =	shalt  }
0x40: {  	_ =	shalt  }
0x41: {  	_ =	shalt  }
0x42: {  	_ =	shalt  }
0x43: {  	_ =	shalt  }
0x44: {  	_ =	shalt  }
0x45: {  	_ =	shalt  }
0x46: {  	_ =	shalt  }
0x47: {  	_ =	shalt  }
0x48: {  	_ =	shalt  }
0x49: {  	_ =	shalt  }
0x4a: {  	_ =	shalt  }
0x4b: {  	_ =	shalt  }
0x4c: {  	_ =	shalt  }
0x4d: {  	_ =	shalt  }
0x4e: {  	_ =	shalt  }
0x4f: {  	_ =	shalt  }
0x50: {  	_ =	shalt  }
0x51: {  	_ =	shalt  }
0x52: {  	_ =	shalt  }
0x53: {  	_ =	shalt  }
0x54: {  	_ =	shalt  }
0x55: {  	_ =	shalt  }
0x56: {  	_ =	shalt  }
0x57: {  	_ =	shalt  }
0x58: {  	_ =	shalt  }
0x59: {  	_ =	shalt  }
0x5a: {  	_ =	shalt  }
0x5b: {  	_ =	shalt  }
0x5c: {  	_ =	shalt  }
0x5d: {  	_ =	shalt  }
0x5e: {  	_ =	shalt  }
0x5f: {  	_ =	shalt  }
0x60: {  	_ =	shalt  }
0x61: {  	_ =	shalt  }
0x62: {  	_ =	shalt  }
0x63: {  	_ =	shalt  }
0x64: {  	_ =	shalt  }
0x65: {  	_ =	shalt  }
0x66: {  	_ =	shalt  }
0x67: {  	_ =	shalt  }
0x68: {  	_ =	shalt  }
0x69: {  	_ =	shalt  }
0x6a: {  	_ =	shalt  }
0x6b: {  	_ =	shalt  }
0x6c: {  	_ =	shalt  }
0x6d: {  	_ =	shalt  }
0x6e: {  	_ =	shalt  }
0x6f: {  	_ =	shalt  }
0x70: {  	_ =	shalt  }
0x71: {  	_ =	shalt  }
0x72: {  	_ =	shalt  }
0x73: {  	_ =	shalt  }
0x74: {  	_ =	shalt  }
0x75: {  	_ =	shalt  }
0x76: {  	_ =	shalt  }
0x77: {  	_ =	shalt  }
0x78: {  	_ =	shalt  }
0x79: {  	_ =	shalt  }
0x7a: {  	_ =	shalt  }
0x7b: {  	_ =	shalt  }
0x7c: {  	_ =	shalt  }
0x7d: {  	_ =	shalt  }
0x7e: {  	_ =	shalt  }
0x7f: {  	_ =	shalt  }
0x80: {  	_ =	shalt  }
0x81: {  	_ =	shalt  }
0x82: {  	_ =	shalt  }
0x83: {  	_ =	shalt  }
0x84: {  	_ =	shalt  }
0x85: {  	_ =	shalt  }
0x86: {  	_ =	shalt  }
0x87: {  	_ =	shalt  }
.Lfunc_end0:
.L_simem_size_0:
called_computation_lowered:
.L_overlay_start_0:
0x88: {  	s2 =	sld [smem:$0x3FD9]  }
0x89: {  	s3 =	sld [smem:$0x3FFE];
	_ =	sdelay $0x1  }
0x8a: {  	s1 =	srdreg.scid  }
0x8b: {  	s0 =	sand.u32 $0x1, s1  }
0x8c: {  	s18 =	sshll.u32 s0, $0xA;
	s2 =	sadd.s32 s3, s2  }
0x8d: {  	s2 =	sadd.s32 s2, s18  }
0x8e: {  	[smem:$0x3FC4] =	sst s2  }
0x8f: {  	_ = 	snop  }
0x90: {  	s2 =	sld [smem:$0x3FC9]  }
0x91: {  	s19 =	sld [smem:$0x3FC8]  }
0x92: {  	s4 =	sld [smem:$0x3FC7]  }
0x93: {  	s5 =	sld [smem:$0x3FC6]  }
0x94: {  	s6 =	sld [smem:$0x3FD0];
	(tm) =	ssettm $0x1  }
0x95: {  	s7 =	sld [smem:$0x3FFB];
	_ =	sdelay $0x3  }
0x96: {  	_ =	strace s7  }
0x97: {  	s7 =	sld [smem:$0x3FFC];
	_ =	sdelay $0x3  }
0x98: {  	_ =	strace s7  }
0x99: {  	s7 =	sld [smem:$0x3FFD];
	_ =	sdelay $0x3  }
0x9a: {  	_ =	strace s7  }
0x9b: {  	_ =	strace $0x8FFFFFFF  }
0x9c: {  	s20 =	sld [smem:$0x3FDB];
	_ =	sdelay $0x1  }
0x9d: {  	s8 =	simm.s32 $_scs_section_size  }
0x9e: {  	s9 =	simm.s32 $_size__tile_overlayer_lowered;
	s10 =	simm.s32 $_tile_overlayer_lowered  }
0x9f: {  	s23 =	simm.s32 $0x1BFF;
	s22 =	sshll.u32 s10, $0x1;
	s7 =	sadd.s32 s8, s20  }
0xa0: {  	s11 =	simm.s32 $0x0;
	s21 =	sshll.u32 s9, $0x1;
	s9 =	sadd.s32 s22, s7  }
0xa1: {  	[timem:s11], [sflag:s23] =	dma.local [hbm:s9], s21  }
0xa2: {  	_ =	swait.ge [sflag:s23], s21  }
0xa3: {  	s8 =	ssub.s32 $0x0, s21;
	[sflag:s23] =	ssyncset.done $0x0  }
0xa4: {  	[sflag:s23] =	ssyncadd.s32 s8;
	_ =	sdelay $0x1  }
0xa5: {  	s24 =	simm.s32 $0x1B8B  }
0xa6: {  	_ =	swait.ge [sflag:s24], $0x1  }
0xa7: {  	[sflag:s24] =	ssyncset.done $0x0  }
0xa8: {  	s25 =	simm.s32 $0x1B8E;
	[sflag:s24] =	ssyncadd.s32 $0xFFFFFFFF  }
0xa9: {  	s26 =	simm.s32 $execute0_lowered;
	[smem:$0x3FD2] =	sst s25  }
0xaa: {  	s8 =	sshll.u32 s26, $0x1;
	_ =	strace $0x80000046;
	[dreg:$0x1] =	wrdreg $0xFFFFFFFF  }
0xab: {  	s28 =	simm.s32 $_size_execute0_lowered;
	s7 =	sadd.s32 s7, s8;
	[dreg:$0x0] =	wrdreg $0x0  }
0xac: {  	s8 =	sshll.u32 s28, $0x1;
	[dreg:$0x2] =	wrdreg s7  }
0xad: {  	[dreg:$0x3] =	wrdreg s8  }
0xae: {  	[dreg:$0x4] =	wrdreg $0xC0  }
0xaf: {  	_ =	task [dreg:s11], $0x5FFFF  }
0xb0: {  	[dreg:$0x1] =	wrdreg $0xFFFFFFFF  }
0xb1: {  	[dreg:$0x0] =	wrdreg $0x60  }
0xb2: {  	[dreg:$0x2] =	wrdreg s2  }
0xb3: {  	[dreg:$0x3] =	wrdreg s19  }
0xb4: {  	[dreg:$0x4] =	wrdreg s4  }
0xb5: {  	[dreg:$0x5] =	wrdreg s5  }
0xb6: {  	[dreg:$0x6] =	wrdreg s6  }
0xb7: {  	[dreg:$0x7] =	wrdreg $0x9  }
0xb8: {  	_ =	task.clear_ibuf [dreg:s11], $0x8FFFF;
	_ =	strace $0x90000046  }
0xb9: {  	s29 =	simm.s32 $0x9;
	_ =	strace $0x80000048  }
0xba: {  	_ =	swait.ge [sflag:s29], $0x1  }
0xbb: {  	[sflag:s29] =	ssyncadd.s32 $0xFFFFFFFF  }
0xbc: {  	_ =	strace $0x90000048  }
0xbd: {  	_ =	sfence  }
0xbe: {  	s30 =	sld [smem:$0x0];
	_ =	sdelay $0x2  }
0xbf: {  	s31 =	sshll.u32 s1, $0xD;
	s1 =	sshrl.u32 s1, $0x2  }
0xc0: {  	s3 =	sand.u32 $0x4000, s31;
	s1 =	sadd.s32 s1, s30  }
0xc1: {  	s0 =	sor.u32 s3, s0;
	s1 =	sshll.u32 s1, $0x11  }
0xc2: {  	s0 =	sor.u32 s1, s0  }
0xc3: {  	s0 =	sadd.s32 $0x8F2B, s0  }
0xc4: {  	[sflag:s0] =	ssyncadd.remote.s32 $0x1  }
0xc5: {  	_ =	sfence.sel $0xFFFF  }
0xc6: {  	[dreg:$0x0] =	wrdreg $0xFFFFFFFF;
	(pc) =	sbr.abs _section_cstart, $3  }
0xc7: {  	[dreg:$0x1] =	wrdreg $0xFFFFFFFF  }
0xc8: {  	_ =	task.clear_ibuf [dreg:s11], $0x2FFFF;
	_ =	strace $0x9FFFFFFF  }
0xc9: {  	(tm) =	ssettm $0x7FFFFFFF  }
tec
execute0_lowered:
.L_overlay_start_1:
0x0: {  	(tag) =	ssettag $0x1  }
0x1: {  	v0 =	vimm.s32 $0x1380  }
0x2: {  	vm14 =	vcmask $0x300;
	vm13 =	vcmask $0x704;
	vm12 =	vcmask $0xB08  }
0x3: {  	vm11 =	vcmask $0xF0C;
	vm10 =	vcmask $0x1310;
	vm9 =	vcmask $0x1714  }
0x4: {  	vm8 =	vcmask $0x1B18;
	vm7 =	vcmask $0x1F1C;
	vm6 =	vcmask $0x2320  }
0x5: {  	vm5 =	vcmask $0x2724;
	vm4 =	vcmask $0x2B28;
	vm3 =	vcmask $0x2F2C  }
0x6: {  	vm2 =	vcmask $0x3330;
	vm0 =	vcmask $0x3734;
	vm1 =	vcmask $0x3B38  }
0x7: {  	v2 =	vlaneseq.u32;
	v4 =	vimm.s32 $0x3380;
	v5 =	vimm.s32 $0x5380  }
0x8: {  	v6 =	vimm.s32 $0x7380;
	v0 =	vsel vm14, $0x0, v0;
	v4 =	vsel vm14, $0x2000, v4  }
0x9: {  	v5 =	vsel vm14, $0x4000, v5;
	v6 =	vsel vm14, $0x6000, v6;
	v0 =	vsel vm13, $0x80, v0  }
0xa: {  	v4 =	vsel vm13, $0x2080, v4;
	v5 =	vsel vm13, $0x4080, v5;
	v6 =	vsel vm13, $0x6080, v6  }
0xb: {  	v0 =	vsel vm12, $0x100, v0;
	v4 =	vsel vm12, $0x2100, v4;
	v5 =	vsel vm12, $0x4100, v5  }
0xc: {  	v6 =	vsel vm12, $0x6100, v6;
	v0 =	vsel vm11, $0x180, v0;
	v4 =	vsel vm11, $0x2180, v4  }
0xd: {  	v5 =	vsel vm11, $0x4180, v5;
	v6 =	vsel vm11, $0x6180, v6;
	v0 =	vsel vm10, $0x200, v0  }
0xe: {  	v4 =	vsel vm10, $0x2200, v4;
	v5 =	vsel vm10, $0x4200, v5;
	v6 =	vsel vm10, $0x6200, v6  }
0xf: {  	s0 =	srdreg.scid;
	v0 =	vsel vm9, $0x280, v0;
	v4 =	vsel vm9, $0x2280, v4;
	v5 =	vsel vm9, $0x4280, v5  }
0x10: {  	s4 =	stileid.u32;
	s9 =	rddreg [dreg:$0x4];
	v6 =	vsel vm9, $0x6280, v6;
	v0 =	vsel vm8, $0x300, v0;
	v4 =	vsel vm8, $0x2300, v4  }
0x11: {  	s10 =	simm.s32 $0x0;
	s18 =	simm.s32 $0x4;
	s19 =	simm.s32 $0x7A1400;
	v5 =	vsel vm8, $0x4300, v5;
	v6 =	vsel vm8, $0x6300, v6;
	v0 =	vsel vm7, $0x380, v0  }
0x12: {  	s20 =	simm.s32 $0x6000;
	s0 =	sand.u32 $0x1, s0;
	s1 =	sshll.u32 s4, $0x1;
	v4 =	vsel vm7, $0x2380, v4;
	v5 =	vsel vm7, $0x4380, v5;
	v6 =	vsel vm7, $0x6380, v6  }
0x13: {  	s21 =	simm.s32 $0xE000;
	s22 =	simm.s32 $0x1;
	s1 =	sor.u32 s0, s1;
	v0 =	vsel vm6, $0x1000, v0;
	v4 =	vsel vm6, $0x3000, v4;
	v5 =	vsel vm6, $0x5000, v5  }
0x14: {  	s23 =	simm.s32 $0x1A000;
	s24 =	simm.s32 $0x1A080;
	s2 =	smul.u32 $0x3D, s1;
	v6 =	vsel vm6, $0x7000, v6;
	v0 =	vsel vm5, $0x1080, v0;
	v4 =	vsel vm5, $0x3080, v4  }
0x15: {  	s25 =	simm.s32 $0x3;
	s26 =	simm.s32 $0x0;
	s3 =	smin.u32 s1, $0x2;
	v5 =	vsel vm5, $0x5080, v5;
	v6 =	vsel vm5, $0x7080, v6;
	v0 =	vsel vm4, $0x1100, v0  }
0x16: {  	p0 =	seq.s32 s4, $0x0;
	s1 =	simm.s32 $0x3E;
	s2 =	sadd.s32 s3, s2;
	v4 =	vsel vm4, $0x3100, v4;
	v5 =	vsel vm4, $0x5100, v5;
	v6 =	vsel vm4, $0x7100, v6  }
0x17: {  	[smem:$0x7FF] =	sst s10;
	s1 =	simm.s32 @!p0 $0x3D;
	s30 =	sshll.u32 s2, $0x9;
	v0 =	vsel vm3, $0x1180, v0;
	v4 =	vsel vm3, $0x3180, v4;
	v5 =	vsel vm3, $0x5180, v5  }
.Ltmp0:
0x18: {  	s0 =	ssub.s32 $0x2, s0;
	s3 =	sadd.s32 s1, s2;
	v6 =	vsel vm3, $0x7180, v6;
	v1 =	vsel vm2, $0x1200, v0;
	v0 =	vmov s30;
	(pc) =	sbr.rel .LBB2_1-.Ltmp0, $4  }
0x19: {  	s6 =	sshrl.u32 s0, $0x1;
	s5 =	sshll.u32 s3, $0x9;
	s7 =	sadd.s32 $0x200, s30;
	v4 =	vsel vm2, $0x3200, v4;
	v5 =	vsel vm2, $0x5200, v5;
	v6 =	vsel vm2, $0x7200, v6  }
0x1a: {  	s0 =	ssub.s32 s0, s6;
	s31 =	sand.u32 $0x1FFFFE00, s7;
	v3 =	vsel vm0, $0x1280, v1;
	v1 =	vmov s5;
	s5 =	rddreg [dreg:$0x1];
	v4 =	vsel vm0, $0x3280, v4  }
0x1b: {  	s14 =	smax.u32 s0, $0x1;
	_ =	strace $0x80000047;
	v5 =	vsel vm0, $0x5280, v5;
	v6 =	vsel vm0, $0x7280, v6;
	v3 =	vsel vm1, $0x1300, v3;
	s4 =	sadd.s32 s5, s30  }
0x1c: {  	s12 =	sadd.s32 s5, s31;
	s13 =	sadd.s32 $0xF4200, s5;
	v4 =	vsel vm1, $0x3300, v4;
	v5 =	vsel vm1, $0x5300, v5;
	v6 =	vsel vm1, $0x7300, v6;
	[dreg:$0x6] =	wrdreg s4  }
.LBB2_27:
0x1d: {  	[sflag:s25] =	ssyncadd.s32 $0xFFFFFFC0  }
.LBB2_28:
0x1e: {  	s26 =	sadd.s32 $0x1, s26  }
0x1f: {  	p0 =	sne.s32 s26, s14  }
.Ltmp1:
0x20: {  	_ = 	snop;
	(pc) =	sbr.rel @!p0 .LBB2_29-.Ltmp1, $1  }
0x21: {  	_ =	sdelay $0x3  }
.LBB2_1:
0x22: {  	s0 =	rddreg [dreg:$0x2];
	s4 =	simm.s32 $0x1A100  }
0x23: {  	[tilespmem:s4], [sflag:$0x4] =	stream.linear.gather [hbm4b:s0+s10], $0x80, $0x38;
	[tilespmem:$0x1A200] =	vst v63  }
0x24: {  	_ =	swait.ge [sflag:s18], $0x80  }
0x25: {  	[sflag:s18] =	ssyncset.done $0x0  }
0x26: {  	[sflag:s18] =	ssyncadd.s32 $0xFFFFFF80  }
0x27: {  	s28 =	simm.s32 $0x1A180;
	s17 =	rddreg [dreg:$0x3]  }
0x28: {  	[tilespmem:s28], [sflag:$0x4] =	stream.linear.gather [hbm4b:s17+s10], $0x80, $0x38;
	[tilespmem:$0x1A200] =	vst v63  }
0x29: {  	_ =	swait.ge [sflag:s18], $0x80  }
0x2a: {  	[sflag:s18] =	ssyncset.done $0x0  }
0x2b: {  	[sflag:s18] =	ssyncadd.s32 $0xFFFFFF80  }
0x2c: {  	s29 =	rddreg [dreg:$0x0]  }
0x2d: {  	[tilespmem:s10], [sflag:$0x4] =	stream.linear.gather [hbm4b:s29+s10], $0x4000, $0x38;
	[tilespmem:$0x1A200] =	vst v63  }
0x2e: {  	_ =	swait.ge [sflag:s18], $0x4000  }
0x2f: {  	[sflag:s18] =	ssyncset.done $0x0  }
0x30: {  	s31 =	simm.s32 $0x1000;
	s30 =	rddreg [dreg:$0x6];
	[sflag:s18] =	ssyncadd.s32 $0xFFFFC000  }
0x31: {  	[tilespmem:s20], [sflag:$0x1] =	stream.strided.gather [hbm4b:s30+s31], $0x8000, s19, s31, $0x38;
	[tilespmem:$0x1A200] =	vst v63  }
0x32: {  	_ = 	snop  }
0x33: {  	[tilespmem:s21], [sflag:$0x2] =	stream.strided.gather [hbm4b:s12+s31], $0x8000, s19, s31, $0x38;
	[tilespmem:$0x1A200] =	vst v63  }
0x34: {  	v7 =	vld [tilespmem:s10+$0x0];
	_ =	sdelay $0x4  }
0x35: {  	vm0 =	vge.s32 v7, v0;
	vm1 =	vlt.s32 v7, v1  }
0x36: {  	vm0 =	vmand vm0, vm1  }
0x37: {  	v8 =	vmpcnt.ones.xlane vm0;
	_ =	sdelay $0x1  }
0x38: {  	(v2sf) =	vpush v8, $0x0;
	_ =	sdelay $0x4  }
0x39: {  	[tilespmem:s10+$0x4000] =	vst.msk vm0, v7;
	v7 =	vor.u32 s10, v2  }
0x3a: {  	s0 =	simm.s32 $0x10;
	[tilespmem:s10+$0x5000] =	vst.msk vm0, v7  }
0x3b: {  	s6 =	simm.s32 $0x20;
	s7 =	simm.s32 $0x10;
	s4 =	simm.s32 $0x0;
	v7 =	vld [tilespmem:s0+$0x0]  }
.LBB2_2:
0x3c: {  	p0 =	sne.s32 s6, $0x3FF0;
	_ =	sdelay $0x3  }
0x3d: {  	vm0 =	vge.s32 v7, v0;
	vm1 =	vlt.s32 v7, v1  }
0x3e: {  	vm0 =	vmand vm0, vm1  }
0x3f: {  	v8 =	vmpcnt.ones.xlane vm0  }
0x40: {  	s8 =	spop (v2sf)  }
0x41: {  	(v2sf) =	vpush v8, $0x0;
	s4 =	sadd.s32 s4, s8  }
0x42: {  	v8 =	vor.u32 s0, v2;
	s0 =	smov.u32 s6;
	[tilespmem:s4+$0x4000] =	vst.msk vm0, v7  }
0x43: {  	[tilespmem:s4+$0x5000] =	vst.msk vm0, v8  }
.Ltmp2:
0x44: {  	(pc) =	sbr.rel @p0 .LBB2_2-.Ltmp2, $3  }
0x45: {  	_ =	sdelay $0x1  }
0x46: {  	s7 =	sadd.s32 $0x10, s7  }
0x47: {  	s6 =	sadd.s32 $0x10, s6;
	v7 =	vld [tilespmem:s7+$0x0]  }
0x48: {  	_ =	sdelay $0x3  }
0x49: {  	vm0 =	vge.s32 v7, v0;
	vm1 =	vlt.s32 v7, v1  }
0x4a: {  	vm0 =	vmand vm0, vm1  }
0x4b: {  	v8 =	vmpcnt.ones.xlane vm0;
	_ =	sdelay $0x1  }
0x4c: {  	(v2sf) =	vpush v8, $0x0;
	_ =	sdelay $0xb  }
0x4d: {  	s6 =	spop (v2sf)  }
0x4e: {  	s4 =	sadd.s32 s4, s6  }
0x4f: {  	v8 =	vor.u32 s0, v2;
	[tilespmem:s4+$0x4000] =	vst.msk vm0, v7  }
0x50: {  	[tilespmem:s4+$0x5000] =	vst.msk vm0, v8;
	s15 =	spop (v2sf)  }
0x51: {  	v7 =	vld [tilespmem:$0x1A100];
	s0 =	sadd.s32 s4, s15  }
0x52: {  	v8 =	vld [tilespmem:$0x1A110];
	s0 =	sadd.s32 $0xF, s0  }
0x53: {  	v9 =	vld [tilespmem:$0x1A120];
	s16 =	sand.u32 $0xF, s0;
	s17 =	sshra.s32 s0, $0x1F  }
.Ltmp3:
0x54: {  	v10 =	vld [tilespmem:$0x1A130];
	p0 =	slt.s32 s0, $0x1;
	p1 =	sne.s32 s16, $0x0;
	(pc) =	sbr.rel .LBB2_4-.Ltmp3, $4  }
0x55: {  	v11 =	vld [tilespmem:$0x1A180];
	s31 =	sshrl.u32 s17, $0x1C;
	p0 =	por !p0, !p1  }
0x56: {  	v12 =	vld [tilespmem:$0x1A190];
	s4 =	simm.s32 $0x1;
	s0 =	sadd.s32 s31, s0;
	p0 =	por !p0, !p0  }
0x57: {  	v13 =	vld [tilespmem:$0x1A1A0];
	s0 =	sshra.s32 s0, $0x4;
	s4 =	simm.s32 @!p0 $0x0  }
0x58: {  	s28 =	simm.s32 $0x0;
	s30 =	simm.s32 $0x0;
	v14 =	vld [tilespmem:$0x1A1B0];
	s29 =	ssub.s32 s0, s4  }
.LBB2_16:
0x59: {  	s28 =	smov.u32 @p0 s28  }
.LBB2_23:
0x5a: {  	s0 =	sadd.s32 $0x3, s31  }
0x5b: {  	p0 =	sge.u32 s0, s3  }
0x5c: {  	p1 =	seq.s32 @!p0 s0, $0x7A1  }
0x5d: {  	p1 =	por p1, p0  }
0x5e: {  	s4 =	sshll.u32 @!p1 s0, $0x9  }
0x5f: {  	s6 =	simm.s32 @!p1 $0x1000;
	s4 =	sand.u32 @!p1 $0x1FFFFE00, s4  }
0x60: {  	s7 =	simm.s32 @!p1 $0x7A1400;
	s8 =	simm.s32 @!p1 $0xE000;
	s4 =	sadd.s32 @!p1 s5, s4  }
0x61: {  	[tilespmem:s8], [sflag:$0x2] =	stream.strided.gather @!p1 [hbm4b:s4+s6], $0x8000, s7, s6, $0x38;
	[tilespmem:$0x1A200] =	vst v63  }
0x62: {  	p1 =	sne.s32 @!p0 s0, $0x7A1  }
0x63: {  	p0 =	por p1, p0  }
0x64: {  	s0 =	simm.s32 @!p0 $0x0;
	s4 =	simm.s32 @!p0 $0xE000  }
0x65: {  	[tilespmem:s4], [sflag:$0x2] =	stream.linear.gather @!p0 [hbm4b:s13+s0], $0x400, $0x38;
	[tilespmem:$0x1A200] =	vst v63  }
0x66: {  	s6 =	simm.s32 @!p0 $0xF000;
	s4 =	sadd.s32 @!p0 $0xF4280, s13  }
0x67: {  	[tilespmem:s6], [sflag:$0x2] =	stream.linear.gather @!p0 [hbm4b:s4+s0], $0x400, $0x38;
	[tilespmem:$0x1A200] =	vst v63  }
0x68: {  	s4 =	sadd.s32 @!p0 $0x1E8500, s13;
	s6 =	simm.s32 @!p0 $0x10000  }
0x69: {  	[tilespmem:s6], [sflag:$0x2] =	stream.linear.gather @!p0 [hbm4b:s4+s0], $0x400, $0x38;
	[tilespmem:$0x1A200] =	vst v63  }
0x6a: {  	s4 =	sadd.s32 @!p0 $0x2DC780, s13;
	s6 =	simm.s32 @!p0 $0x11000  }
0x6b: {  	[tilespmem:s6], [sflag:$0x2] =	stream.linear.gather @!p0 [hbm4b:s4+s0], $0x400, $0x38;
	[tilespmem:$0x1A200] =	vst v63  }
0x6c: {  	s4 =	sadd.s32 @!p0 $0x3D0A00, s13;
	s6 =	simm.s32 @!p0 $0x12000  }
0x6d: {  	[tilespmem:s6], [sflag:$0x2] =	stream.linear.gather @!p0 [hbm4b:s4+s0], $0x400, $0x38;
	[tilespmem:$0x1A200] =	vst v63  }
0x6e: {  	s4 =	sadd.s32 @!p0 $0x4C4C80, s13;
	s6 =	simm.s32 @!p0 $0x13000  }
0x6f: {  	[tilespmem:s6], [sflag:$0x2] =	stream.linear.gather @!p0 [hbm4b:s4+s0], $0x400, $0x38;
	[tilespmem:$0x1A200] =	vst v63  }
0x70: {  	s4 =	sadd.s32 @!p0 $0x5B8F00, s13;
	s6 =	simm.s32 @!p0 $0x14000  }
0x71: {  	[tilespmem:s6], [sflag:$0x2] =	stream.linear.gather @!p0 [hbm4b:s4+s0], $0x400, $0x38;
	[tilespmem:$0x1A200] =	vst v63  }
0x72: {  	s30 =	sadd.s32 $0x1, s30;
	s4 =	sadd.s32 @!p0 $0x6AD180, s13;
	s6 =	simm.s32 @!p0 $0x15000  }
0x73: {  	[tilespmem:s6], [sflag:$0x2] =	stream.linear.gather @!p0 [hbm4b:s4+s0], $0x400, $0x38;
	[tilespmem:$0x1A200] =	vst v63  }
0x74: {  	p0 =	sne.s32 s30, $0x1F  }
.Ltmp4:
0x75: {  	_ = 	snop;
	(pc) =	sbr.rel @!p0 .LBB2_24-.Ltmp4, $1  }
0x76: {  	_ =	sdelay $0x3  }
.LBB2_4:
0x77: {  	s0 =	sshll.u32 s30, $0x1  }
0x78: {  	s31 =	sadd.s32 s2, s0;
	p0 =	sge.u32 s0, s1  }
0x79: {  	p1 =	seq.s32 @!p0 s31, $0x7A1  }
0x7a: {  	p1 =	por p0, p1  }
.Ltmp5:
0x7b: {  	_ = 	snop;
	(pc) =	sbr.rel @p1 .LBB2_6-.Ltmp5, $1  }
0x7c: {  	_ =	sdelay $0x3  }
.Ltmp6:
0x7d: {  	(pc) =	sbr.rel .LBB2_7-.Ltmp6, $4  }
0x7e: {  	_ = 	snop  }
0x7f: {  	_ =	swait.ge [sflag:s22], $0x8000  }
0x80: {  	[sflag:s22] =	ssyncset.done $0x0  }
0x81: {  	[sflag:s22] =	ssyncadd.s32 $0xFFFF8000  }
.LBB2_6:
0x82: {  	p1 =	sne.s32 @!p0 s31, $0x7A1  }
0x83: {  	p1 =	por p1, p0  }
0x84: {  	s0 =	simm.s32 @!p1 $0x1  }
0x85: {  	_ =	swait.ge @!p1 [sflag:s0], $0x2000  }
0x86: {  	[sflag:s0] =	ssyncset.done @!p1 $0x0  }
0x87: {  	[sflag:s0] =	ssyncadd.s32 @!p1 $0xFFFFE000  }
.LBB2_7:
0x88: {  	p1 =	slt.s32 @!p0 s29, $0x1  }
0x89: {  	p1 =	por p0, p1  }
.Ltmp7:
0x8a: {  	_ = 	snop;
	(pc) =	sbr.rel @p1 .LBB2_8-.Ltmp7, $1  }
0x8b: {  	_ =	sdelay $0x3  }
.Ltmp8:
0x8c: {  	(pc) =	sbr.rel .LBB2_10-.Ltmp8, $4  }
0x8d: {  	_ = 	snop  }
0x8e: {  	s0 =	sshll.u32 s31, $0x9  }
0x8f: {  	s4 =	sadd.s32 $0x200, s0  }
0x90: {  	s8 =	simm.s32 $0x0;
	v15 =	vmov s0;
	s0 =	simm.s32 $0x0;
	v16 =	vmov s4  }
.LBB2_13:
0x91: {  	v17 =	vmul.f32 s17, v7  }
0x92: {  	v22 =	vmul.f32 s17, v10  }
0x93: {  	v23 =	vmul.f32 s17, v8;
	v17 =	vmul.f32 v17, v19  }
0x94: {  	_ =	swait.ge @!p1 [sflag:s7], $0x40;
	v19 =	vmul.f32 s17, v9;
	v21 =	vmul.f32 v22, v21  }
0x95: {  	[sflag:s7] =	ssyncset.done @!p1 $0x0;
	v20 =	vmul.f32 v23, v20;
	v17 =	vadd.f32 v17, v11  }
0x96: {  	s4 =	sshra.s32 s15, $0x2;
	[sflag:s7] =	ssyncadd.s32 @!p1 $0xFFFFFFC0;
	v18 =	vmul.f32 v19, v18;
	v19 =	vadd.f32 v21, v14  }
0x97: {  	s16 =	spop (v2sf);
	v20 =	vadd.f32 v20, v12;
	[tilespmem:s4+$0x16000] =	vst v17  }
0x98: {  	s7 =	sshll.u32 s16, $0x3;
	v17 =	vadd.f32 v18, v13;
	[tilespmem:s4+$0x16030] =	vst v19  }
0x99: {  	s7 =	sand.u32 $0x1FFFFFF8, s7;
	[tilespmem:s4+$0x16010] =	vst v20  }
0x9a: {  	s28 =	sadd.s32 s6, s28;
	s11 =	sadd.s32 $0x16000, s4;
	s17 =	sadd.s32 s9, s7;
	[tilespmem:s4+$0x16020] =	vst v17  }
0x9b: {  	[hbm4b:s17+s10] =	stream.linear.scatter [tilespmem:s11], [sflag:$0x3], $0x40, $0x38;
	[tilespmem:$0x1A200] =	vst v63  }
.LBB2_14:
0x9c: {  	s0 =	sadd.s32 $0x1, s0  }
0x9d: {  	p0 =	sgt.s32 s29, s0  }
.Ltmp9:
0x9e: {  	_ = 	snop;
	(pc) =	sbr.rel @!p0 .LBB2_15-.Ltmp9, $1  }
0x9f: {  	_ =	sdelay $0x3  }
.LBB2_10:
0xa0: {  	s4 =	sshll.u32 s0, $0x4  }
0xa1: {  	v17 =	vld [tilespmem:s4+$0x4000];
	_ =	sdelay $0x4  }
0xa2: {  	vm0 =	vge.s32 v17, v15;
	vm1 =	vlt.s32 v17, v16  }
0xa3: {  	vm0 =	vmand vm0, vm1  }
0xa4: {  	v18 =	vmpcnt.ones.xlane vm0;
	_ =	sdelay $0x1  }
0xa5: {  	(v2sf) =	vpush v18, $0x0;
	_ =	sdelay $0xe  }
0xa6: {  	v18 =	vld [tilespmem:s4+$0x5000];
	s4 =	spop (v2sf)  }
0xa7: {  	p0 =	slt.s32 s4, $0x1  }
.Ltmp10:
0xa8: {  	_ = 	snop;
	(pc) =	sbr.rel @p0 .LBB2_14-.Ltmp10, $3  }
0xa9: {  	_ =	sdelay $0x1  }
0xaa: {  	[tilespmem:s23+$0x0] =	vst.msk vm0, v17  }
0xab: {  	[tilespmem:s24+$0x0] =	vst.msk vm0, v18  }
0xac: {  	v17 =	vmov s8;
	_ =	sdelay $0x4  }
0xad: {  	v18 =	vld.idx.msk [tilespmem:v17+s23+$0x0], $0xffff;
	_ =	sdelay $0x4  }
0xae: {  	v19 =	vsub.s32 v18, v15  }
0xaf: {  	v19 =	vshll.u32 v19, $0x3  }
0xb0: {  	v18 =	vand.u32 $0x7F, v18;
	v19 =	vand.u32 $0xFFFFFC00, v19  }
0xb1: {  	v18 =	vor.u32 v18, v19  }
0xb2: {  	v19 =	vadd.s32 v3, v18  }
0xb3: {  	v20 =	vadd.s32 v6, v18  }
0xb4: {  	v21 =	vadd.s32 v5, v18  }
0xb5: {  	v18 =	vadd.s32 v4, v18;
	_ =	sdelay $0x1  }
0xb6: {  	v19 =	vld.idx.msk [tilespmem:v19+s20+$0x0], $0xffff  }
0xb7: {  	v22 =	vld.idx.msk [tilespmem:v20+s20+$0x0], $0xffff  }
0xb8: {  	v21 =	vld.idx.msk [tilespmem:v21+s20+$0x0], $0xffff  }
0xb9: {  	v18 =	vld.idx.msk [tilespmem:v18+s20+$0x0], $0xffff;
	_ =	sdelay $0x3  }
0xba: {  	v20 =	vmul.f32 v19, v19  }
0xbb: {  	v23 =	vmul.f32 v22, v22;
	v24 =	vadd.f32 v22, v21;
	v25 =	vadd.f32 v18, v19  }
0xbc: {  	v26 =	vmul.f32 v21, v21;
	v27 =	vmul.f32 v18, v18  }
0xbd: {  	v24 =	vadd.f32 v24, v25  }
0xbe: {  	v23 =	vadd.f32 v23, v26;
	v20 =	vadd.f32 v27, v20  }
0xbf: {  	(xrf2) =	vadd.scan.msk.f32 $0xffff, v24  }
0xc0: {  	v20 =	vadd.f32 v23, v20;
	_ =	sdelay $0x1  }
0xc1: {  	(xrf2) =	vadd.scan.msk.f32 $0xffff, v20;
	_ =	sdelay $0x6  }
0xc2: {  	v20, _, _ =	vpop (xrf2)  }
0xc3: {  	(v2sf) =	vpush v20, $0xF;
	_ =	sdelay $0x1  }
0xc4: {  	v20, _, _ =	vpop (xrf2)  }
0xc5: {  	(v2sf) =	vpush v20, $0xF;
	_ =	sdelay $0xb  }
0xc6: {  	s6 =	spop (v2sf)  }
0xc7: {  	s6 =	smul.f32 $1.562500000e-02, s6;
	_ =	sdelay $0x1  }
0xc8: {  	s15 =	spop (v2sf);
	s7 =	smul.f32 s6, s6  }
0xc9: {  	s15 =	smul.f32 $1.562500000e-02, s15;
	_ =	sdelay $0x1  }
0xca: {  	s7 =	ssub.f32 s15, s7;
	_ =	sdelay $0x1  }
0xcb: {  	s7 =	sadd.f32 $9.999999740e-06, s7;
	_ =	sdelay $0x1  }
0xcc: {  	s17 =	sshra.s32 s7, $0x1;
	s7 =	smul.f32 $5.000000000e-01, s7  }
0xcd: {  	s15 =	ssub.s32 $0x5F3759DF, s17  }
0xce: {  	s16 =	smul.f32 s15, s7;
	_ =	sdelay $0x1  }
0xcf: {  	s16 =	smul.f32 s15, s16;
	_ =	sdelay $0x1  }
0xd0: {  	s16 =	ssub.f32 $1.500000000e+00, s16;
	_ =	sdelay $0x1  }
0xd1: {  	s15 =	smul.f32 s15, s16;
	_ =	sdelay $0x1  }
0xd2: {  	s16 =	smul.f32 s15, s7;
	_ =	sdelay $0x1  }
0xd3: {  	v17 =	vld.idx.msk [tilespmem:v17+s24+$0x0], $0xffff;
	s16 =	smul.f32 s16, s15;
	_ =	sdelay $0x1  }
0xd4: {  	s16 =	ssub.f32 $1.500000000e+00, s16;
	_ =	sdelay $0x1  }
0xd5: {  	s16 =	smul.f32 s16, s15  }
0xd6: {  	(v2sf) =	vpush v17, $0x0  }
0xd7: {  	s7 =	smul.f32 s16, s7  }
0xd8: {  	s15 =	sadd.s32 $0x0, s28  }
0xd9: {  	p0 =	sne.s32 s4, $0x1;
	s17 =	sshra.s32 s15, $0x1F;
	s7 =	smul.f32 s7, s16  }
.Ltmp11:
0xda: {  	s17 =	sshrl.u32 s17, $0x19;
	(pc) =	sbr.rel @!p0 .LBB2_13-.Ltmp11, $4  }
0xdb: {  	s17 =	sadd.s32 s17, s15;
	s11 =	ssub.f32 $1.500000000e+00, s7  }
0xdc: {  	v23 =	vmov s6;
	s17 =	sand.u32 $0xFFFFFF80, s17  }
0xdd: {  	v19 =	vsub.f32 v19, v23;
	v20 =	vsub.f32 v18, v23;
	p1 =	slt.s32 s15, $0x80;
	s15 =	ssub.s32 s15, s17;
	s17 =	smul.f32 s11, s16  }
0xde: {  	s6 =	simm.s32 $0x1;
	v18 =	vsub.f32 v21, v23;
	v21 =	vsub.f32 v22, v23;
	s7 =	simm.s32 @!p1 $0x3;
	s15 =	sshll.u32 s15, $0x9  }
.LBB2_12:
0xdf: {  	s16 =	smov.u32 s6;
	s6 =	sadd.s32 $0x1, s6  }
0xe0: {  	v22 =	vmul.f32 s17, v7;
	v23 =	vmul.f32 s17, v8;
	p0 =	sne.s32 s4, s6  }
0xe1: {  	s11 =	sshra.s32 s15, $0x2;
	v24 =	vmul.f32 s17, v9;
	v25 =	vmul.f32 s17, v10  }
0xe2: {  	v17 =	vmov s16;
	v19 =	vmul.f32 v22, v19;
	v20 =	vmul.f32 v23, v20  }
0xe3: {  	v18 =	vmul.f32 v24, v18;
	v21 =	vmul.f32 v25, v21;
	_ =	swait.ge @!p1 [sflag:s7], $0x40  }
0xe4: {  	v19 =	vadd.f32 v19, v11;
	v20 =	vadd.f32 v20, v12;
	[sflag:s7] =	ssyncset.done @!p1 $0x0  }
0xe5: {  	v18 =	vadd.f32 v18, v13;
	v21 =	vadd.f32 v21, v14;
	[sflag:s7] =	ssyncadd.s32 @!p1 $0xFFFFFFC0  }
0xe6: {  	[tilespmem:s11+$0x16000] =	vst v19;
	s7 =	spop (v2sf)  }
0xe7: {  	[tilespmem:s11+$0x16030] =	vst v21;
	s7 =	sshll.u32 s7, $0x3  }
0xe8: {  	[tilespmem:s11+$0x16010] =	vst v20;
	s7 =	sand.u32 $0x1FFFFFF8, s7  }
0xe9: {  	s15 =	sadd.s32 $0x16000, s11;
	[tilespmem:s11+$0x16020] =	vst v18;
	s7 =	sadd.s32 s9, s7  }
0xea: {  	[hbm4b:s7+s10] =	stream.linear.scatter [tilespmem:s15], [sflag:$0x3], $0x40, $0x38;
	[tilespmem:$0x1A200] =	vst v63  }
0xeb: {  	v18 =	vld.idx.msk [tilespmem:v17+s23+$0x0], $0xffff;
	_ =	sdelay $0x5  }
0xec: {  	v19 =	vsub.s32 v18, v15  }
0xed: {  	v18 =	vand.u32 $0x7F, v18;
	v19 =	vshll.u32 v19, $0x3  }
0xee: {  	v19 =	vand.u32 $0xFFFFFC00, v19  }
0xef: {  	v18 =	vor.u32 v18, v19  }
0xf0: {  	v19 =	vadd.s32 v3, v18;
	v20 =	vadd.s32 v5, v18;
	v21 =	vadd.s32 v6, v18  }
0xf1: {  	v18 =	vadd.s32 v4, v18  }
0xf2: {  	s11 =	sadd.s32 s16, s28  }
0xf3: {  	s7 =	sshra.s32 s11, $0x1F;
	p1 =	slt.s32 s11, $0x80  }
0xf4: {  	s15 =	sshrl.u32 s7, $0x19;
	s7 =	simm.s32 @!p1 $0x3  }
0xf5: {  	s15 =	sadd.s32 s15, s11;
	v19 =	vld.idx.msk [tilespmem:v19+s20+$0x0], $0xffff  }
0xf6: {  	s15 =	sand.u32 $0xFFFFFF80, s15;
	v21 =	vld.idx.msk [tilespmem:v21+s20+$0x0], $0xffff  }
0xf7: {  	s11 =	ssub.s32 s11, s15;
	v22 =	vld.idx.msk [tilespmem:v20+s20+$0x0], $0xffff  }
0xf8: {  	s15 =	sshll.u32 s11, $0x9;
	v18 =	vld.idx.msk [tilespmem:v18+s20+$0x0], $0xffff;
	_ =	sdelay $0x2  }
0xf9: {  	v20 =	vmul.f32 v19, v19  }
0xfa: {  	v23 =	vmul.f32 v21, v21  }
0xfb: {  	v24 =	vadd.f32 v21, v22;
	v25 =	vmul.f32 v22, v22  }
0xfc: {  	v26 =	vadd.f32 v18, v19;
	v27 =	vmul.f32 v18, v18  }
0xfd: {  	v23 =	vadd.f32 v23, v25  }
0xfe: {  	v24 =	vadd.f32 v24, v26;
	v20 =	vadd.f32 v27, v20;
	_ =	sdelay $0x1  }
0xff: {  	v20 =	vadd.f32 v23, v20;
	(xrf2) =	vadd.scan.msk.f32 $0xffff, v24;
	_ =	sdelay $0x2  }
0x100: {  	(xrf2) =	vadd.scan.msk.f32 $0xffff, v20;
	_ =	sdelay $0x6  }
0x101: {  	v20, _, _ =	vpop (xrf2)  }
0x102: {  	(v2sf) =	vpush v20, $0xF;
	_ =	sdelay $0x1  }
0x103: {  	v20, _, _ =	vpop (xrf2)  }
0x104: {  	(v2sf) =	vpush v20, $0xF;
	_ =	sdelay $0xb  }
0x105: {  	s11 =	spop (v2sf)  }
0x106: {  	s11 =	smul.f32 $1.562500000e-02, s11;
	_ =	sdelay $0x1  }
0x107: {  	s16 =	smul.f32 s11, s11;
	v23 =	vmov s11;
	s11 =	spop (v2sf)  }
0x108: {  	s11 =	smul.f32 $1.562500000e-02, s11  }
0x109: {  	v19 =	vsub.f32 v19, v23;
	v20 =	vsub.f32 v18, v23  }
0x10a: {  	v18 =	vsub.f32 v22, v23;
	v21 =	vsub.f32 v21, v23;
	s11 =	ssub.f32 s11, s16;
	_ =	sdelay $0x1  }
0x10b: {  	s11 =	sadd.f32 $9.999999740e-06, s11;
	_ =	sdelay $0x1  }
0x10c: {  	s16 =	sshra.s32 s11, $0x1;
	s11 =	smul.f32 $5.000000000e-01, s11  }
0x10d: {  	s16 =	ssub.s32 $0x5F3759DF, s16  }
0x10e: {  	s17 =	smul.f32 s16, s11;
	_ =	sdelay $0x1  }
0x10f: {  	s17 =	smul.f32 s16, s17;
	_ =	sdelay $0x1  }
0x110: {  	s17 =	ssub.f32 $1.500000000e+00, s17;
	_ =	sdelay $0x1  }
0x111: {  	s16 =	smul.f32 s16, s17;
	_ =	sdelay $0x1  }
0x112: {  	s17 =	smul.f32 s16, s11;
	_ =	sdelay $0x1  }
0x113: {  	v17 =	vld.idx.msk [tilespmem:v17+s24+$0x0], $0xffff;
	s17 =	smul.f32 s17, s16;
	_ =	sdelay $0x1  }
0x114: {  	s17 =	ssub.f32 $1.500000000e+00, s17;
	_ =	sdelay $0x1  }
0x115: {  	s16 =	smul.f32 s17, s16;
	_ =	sdelay $0x1  }
0x116: {  	(v2sf) =	vpush v17, $0x0;
	s11 =	smul.f32 s16, s11;
	_ =	sdelay $0x1  }
0x117: {  	s11 =	smul.f32 s11, s16  }
.Ltmp12:
0x118: {  	(pc) =	sbr.rel @p0 .LBB2_12-.Ltmp12, $3  }
0x119: {  	_ = 	snop  }
0x11a: {  	s11 =	ssub.f32 $1.500000000e+00, s11;
	_ =	sdelay $0x1  }
0x11b: {  	s17 =	smul.f32 s11, s16  }
.Ltmp13:
0x11c: {  	_ = 	snop;
	(pc) =	sbr.rel .LBB2_13-.Ltmp13, $1  }
0x11d: {  	_ =	sdelay $0x3  }
.LBB2_8:
0x11e: {  	s28 =	smov.u32 @p0 s28  }
.LBB2_15:
0x11f: {  	s0 =	sadd.s32 $0x2, s31  }
0x120: {  	p0 =	sge.u32 s0, s3  }
0x121: {  	p1 =	seq.s32 @!p0 s0, $0x7A1  }
0x122: {  	p1 =	por p1, p0  }
0x123: {  	s4 =	sshll.u32 @!p1 s0, $0x9  }
0x124: {  	s6 =	simm.s32 @!p1 $0x1000;
	s4 =	sand.u32 @!p1 $0x1FFFFE00, s4  }
0x125: {  	s7 =	simm.s32 @!p1 $0x7A1400;
	s8 =	simm.s32 @!p1 $0x6000;
	s4 =	sadd.s32 @!p1 s5, s4  }
0x126: {  	[tilespmem:s8], [sflag:$0x1] =	stream.strided.gather @!p1 [hbm4b:s4+s6], $0x8000, s7, s6, $0x38;
	[tilespmem:$0x1A200] =	vst v63  }
0x127: {  	p1 =	sne.s32 @!p0 s0, $0x7A1  }
0x128: {  	p0 =	por p1, p0  }
0x129: {  	s4 =	simm.s32 @!p0 $0x0;
	s0 =	simm.s32 @!p0 $0x6000  }
0x12a: {  	[tilespmem:s0], [sflag:$0x1] =	stream.linear.gather @!p0 [hbm4b:s13+s4], $0x400, $0x38;
	[tilespmem:$0x1A200] =	vst v63  }
0x12b: {  	s6 =	simm.s32 @!p0 $0x7000;
	s0 =	sadd.s32 @!p0 $0xF4280, s13  }
0x12c: {  	[tilespmem:s6], [sflag:$0x1] =	stream.linear.gather @!p0 [hbm4b:s0+s4], $0x400, $0x38;
	[tilespmem:$0x1A200] =	vst v63  }
0x12d: {  	s0 =	sadd.s32 @!p0 $0x1E8500, s13;
	s6 =	simm.s32 @!p0 $0x8000  }
0x12e: {  	[tilespmem:s6], [sflag:$0x1] =	stream.linear.gather @!p0 [hbm4b:s0+s4], $0x400, $0x38;
	[tilespmem:$0x1A200] =	vst v63  }
0x12f: {  	s0 =	sadd.s32 @!p0 $0x2DC780, s13;
	s6 =	simm.s32 @!p0 $0x9000  }
0x130: {  	[tilespmem:s6], [sflag:$0x1] =	stream.linear.gather @!p0 [hbm4b:s0+s4], $0x400, $0x38;
	[tilespmem:$0x1A200] =	vst v63  }
0x131: {  	s0 =	sadd.s32 @!p0 $0x3D0A00, s13;
	s6 =	simm.s32 @!p0 $0xA000  }
0x132: {  	[tilespmem:s6], [sflag:$0x1] =	stream.linear.gather @!p0 [hbm4b:s0+s4], $0x400, $0x38;
	[tilespmem:$0x1A200] =	vst v63  }
0x133: {  	s0 =	sadd.s32 @!p0 $0x4C4C80, s13;
	s6 =	simm.s32 @!p0 $0xB000  }
0x134: {  	[tilespmem:s6], [sflag:$0x1] =	stream.linear.gather @!p0 [hbm4b:s0+s4], $0x400, $0x38;
	[tilespmem:$0x1A200] =	vst v63  }
0x135: {  	s0 =	sadd.s32 @!p0 $0x5B8F00, s13;
	s6 =	simm.s32 @!p0 $0xC000  }
0x136: {  	[tilespmem:s6], [sflag:$0x1] =	stream.linear.gather @!p0 [hbm4b:s0+s4], $0x400, $0x38;
	[tilespmem:$0x1A200] =	vst v63  }
0x137: {  	s7 =	simm.s32 @!p0 $0xD000;
	s0 =	sadd.s32 $0x1, s31;
	s6 =	sadd.s32 @!p0 $0x6AD180, s13  }
0x138: {  	[tilespmem:s7], [sflag:$0x1] =	stream.linear.gather @!p0 [hbm4b:s6+s4], $0x400, $0x38;
	[tilespmem:$0x1A200] =	vst v63  }
0x139: {  	p0 =	sge.u32 s0, s3  }
0x13a: {  	p1 =	seq.s32 @!p0 s0, $0x7A1  }
0x13b: {  	p1 =	por p1, p0  }
0x13c: {  	s4 =	simm.s32 @!p1 $0x2  }
0x13d: {  	_ =	swait.ge @!p1 [sflag:s4], $0x8000  }
0x13e: {  	[sflag:s4] =	ssyncset.done @!p1 $0x0  }
0x13f: {  	[sflag:s4] =	ssyncadd.s32 @!p1 $0xFFFF8000;
	p1 =	slt.s32 @!p0 s29, $0x1  }
0x140: {  	p2 =	sne.s32 @!p0 s0, $0x7A1;
	p1 =	por p0, p1  }
.Ltmp14:
0x141: {  	p2 =	por p2, p0;
	(pc) =	sbr.rel @p1 .LBB2_16-.Ltmp14, $4  }
0x142: {  	s4 =	simm.s32 @!p2 $0x2  }
0x143: {  	_ =	swait.ge @!p2 [sflag:s4], $0x2000  }
0x144: {  	[sflag:s4] =	ssyncset.done @!p2 $0x0  }
0x145: {  	[sflag:s4] =	ssyncadd.s32 @!p2 $0xFFFFE000  }
.Ltmp15:
0x146: {  	(pc) =	sbr.rel .LBB2_18-.Ltmp15, $4  }
0x147: {  	_ = 	snop  }
0x148: {  	s0 =	sshll.u32 s0, $0x9  }
0x149: {  	s4 =	sadd.s32 $0x200, s0  }
0x14a: {  	s8 =	simm.s32 $0x0;
	v15 =	vmov s0;
	s0 =	simm.s32 $0x0;
	v16 =	vmov s4  }
.LBB2_21:
0x14b: {  	v17 =	vmul.f32 s17, v7  }
0x14c: {  	v22 =	vmul.f32 s17, v10  }
0x14d: {  	v23 =	vmul.f32 s17, v8;
	v17 =	vmul.f32 v17, v19  }
0x14e: {  	_ =	swait.ge @!p1 [sflag:s7], $0x40;
	v19 =	vmul.f32 s17, v9;
	v21 =	vmul.f32 v22, v21  }
0x14f: {  	[sflag:s7] =	ssyncset.done @!p1 $0x0;
	v20 =	vmul.f32 v23, v20;
	v17 =	vadd.f32 v17, v11  }
0x150: {  	s4 =	sshra.s32 s15, $0x2;
	[sflag:s7] =	ssyncadd.s32 @!p1 $0xFFFFFFC0;
	v18 =	vmul.f32 v19, v18;
	v19 =	vadd.f32 v21, v14  }
0x151: {  	s16 =	spop (v2sf);
	v20 =	vadd.f32 v20, v12;
	[tilespmem:s4+$0x16000] =	vst v17  }
0x152: {  	s7 =	sshll.u32 s16, $0x3;
	v17 =	vadd.f32 v18, v13;
	[tilespmem:s4+$0x16030] =	vst v19  }
0x153: {  	s7 =	sand.u32 $0x1FFFFFF8, s7;
	[tilespmem:s4+$0x16010] =	vst v20  }
0x154: {  	s28 =	sadd.s32 s6, s28;
	s11 =	sadd.s32 $0x16000, s4;
	s17 =	sadd.s32 s9, s7;
	[tilespmem:s4+$0x16020] =	vst v17  }
0x155: {  	[hbm4b:s17+s10] =	stream.linear.scatter [tilespmem:s11], [sflag:$0x3], $0x40, $0x38;
	[tilespmem:$0x1A200] =	vst v63  }
.LBB2_22:
0x156: {  	s0 =	sadd.s32 $0x1, s0  }
0x157: {  	p0 =	sgt.s32 s29, s0  }
.Ltmp16:
0x158: {  	_ = 	snop;
	(pc) =	sbr.rel @!p0 .LBB2_23-.Ltmp16, $1  }
0x159: {  	_ =	sdelay $0x3  }
.LBB2_18:
0x15a: {  	s4 =	sshll.u32 s0, $0x4  }
0x15b: {  	v17 =	vld [tilespmem:s4+$0x4000];
	_ =	sdelay $0x4  }
0x15c: {  	vm0 =	vge.s32 v17, v15;
	vm1 =	vlt.s32 v17, v16  }
0x15d: {  	vm0 =	vmand vm0, vm1  }
0x15e: {  	v18 =	vmpcnt.ones.xlane vm0;
	_ =	sdelay $0x1  }
0x15f: {  	(v2sf) =	vpush v18, $0x0;
	_ =	sdelay $0xe  }
0x160: {  	v18 =	vld [tilespmem:s4+$0x5000];
	s4 =	spop (v2sf)  }
0x161: {  	p0 =	slt.s32 s4, $0x1  }
.Ltmp17:
0x162: {  	_ = 	snop;
	(pc) =	sbr.rel @p0 .LBB2_22-.Ltmp17, $3  }
0x163: {  	_ =	sdelay $0x1  }
0x164: {  	[tilespmem:s23+$0x0] =	vst.msk vm0, v17  }
0x165: {  	[tilespmem:s24+$0x0] =	vst.msk vm0, v18  }
0x166: {  	v17 =	vmov s8;
	_ =	sdelay $0x4  }
0x167: {  	v18 =	vld.idx.msk [tilespmem:v17+s23+$0x0], $0xffff;
	_ =	sdelay $0x4  }
0x168: {  	v19 =	vsub.s32 v18, v15  }
0x169: {  	v19 =	vshll.u32 v19, $0x3  }
0x16a: {  	v18 =	vand.u32 $0x7F, v18;
	v19 =	vand.u32 $0xFFFFFC00, v19  }
0x16b: {  	v18 =	vor.u32 v18, v19  }
0x16c: {  	v19 =	vadd.s32 v3, v18  }
0x16d: {  	v20 =	vadd.s32 v6, v18  }
0x16e: {  	v21 =	vadd.s32 v5, v18  }
0x16f: {  	v18 =	vadd.s32 v4, v18;
	_ =	sdelay $0x1  }
0x170: {  	v19 =	vld.idx.msk [tilespmem:v19+s21+$0x0], $0xffff  }
0x171: {  	v22 =	vld.idx.msk [tilespmem:v20+s21+$0x0], $0xffff  }
0x172: {  	v21 =	vld.idx.msk [tilespmem:v21+s21+$0x0], $0xffff  }
0x173: {  	v18 =	vld.idx.msk [tilespmem:v18+s21+$0x0], $0xffff;
	_ =	sdelay $0x3  }
0x174: {  	v20 =	vmul.f32 v19, v19  }
0x175: {  	v23 =	vmul.f32 v22, v22;
	v24 =	vadd.f32 v22, v21;
	v25 =	vadd.f32 v18, v19  }
0x176: {  	v26 =	vmul.f32 v21, v21;
	v27 =	vmul.f32 v18, v18  }
0x177: {  	v24 =	vadd.f32 v24, v25  }
0x178: {  	v23 =	vadd.f32 v23, v26;
	v20 =	vadd.f32 v27, v20  }
0x179: {  	(xrf2) =	vadd.scan.msk.f32 $0xffff, v24  }
0x17a: {  	v20 =	vadd.f32 v23, v20;
	_ =	sdelay $0x1  }
0x17b: {  	(xrf2) =	vadd.scan.msk.f32 $0xffff, v20;
	_ =	sdelay $0x6  }
0x17c: {  	v20, _, _ =	vpop (xrf2)  }
0x17d: {  	(v2sf) =	vpush v20, $0xF;
	_ =	sdelay $0x1  }
0x17e: {  	v20, _, _ =	vpop (xrf2)  }
0x17f: {  	(v2sf) =	vpush v20, $0xF;
	_ =	sdelay $0xb  }
0x180: {  	s6 =	spop (v2sf)  }
0x181: {  	s6 =	smul.f32 $1.562500000e-02, s6;
	_ =	sdelay $0x1  }
0x182: {  	s11 =	spop (v2sf);
	s7 =	smul.f32 s6, s6  }
0x183: {  	s11 =	smul.f32 $1.562500000e-02, s11;
	_ =	sdelay $0x1  }
0x184: {  	s7 =	ssub.f32 s11, s7;
	_ =	sdelay $0x1  }
0x185: {  	s7 =	sadd.f32 $9.999999740e-06, s7;
	_ =	sdelay $0x1  }
0x186: {  	s17 =	sshra.s32 s7, $0x1;
	s7 =	smul.f32 $5.000000000e-01, s7  }
0x187: {  	s11 =	ssub.s32 $0x5F3759DF, s17  }
0x188: {  	s15 =	smul.f32 s11, s7;
	_ =	sdelay $0x1  }
0x189: {  	s15 =	smul.f32 s11, s15;
	_ =	sdelay $0x1  }
0x18a: {  	s15 =	ssub.f32 $1.500000000e+00, s15;
	_ =	sdelay $0x1  }
0x18b: {  	s11 =	smul.f32 s11, s15;
	_ =	sdelay $0x1  }
0x18c: {  	s15 =	smul.f32 s11, s7;
	_ =	sdelay $0x1  }
0x18d: {  	v17 =	vld.idx.msk [tilespmem:v17+s24+$0x0], $0xffff;
	s15 =	smul.f32 s15, s11;
	_ =	sdelay $0x1  }
0x18e: {  	s15 =	ssub.f32 $1.500000000e+00, s15;
	_ =	sdelay $0x1  }
0x18f: {  	s11 =	smul.f32 s15, s11  }
0x190: {  	(v2sf) =	vpush v17, $0x0  }
0x191: {  	s7 =	smul.f32 s11, s7  }
0x192: {  	s15 =	sadd.s32 $0x0, s28  }
0x193: {  	p0 =	sne.s32 s4, $0x1;
	s16 =	sshra.s32 s15, $0x1F;
	s7 =	smul.f32 s7, s11  }
.Ltmp18:
0x194: {  	s16 =	sshrl.u32 s16, $0x19;
	(pc) =	sbr.rel @!p0 .LBB2_21-.Ltmp18, $4  }
0x195: {  	s16 =	sadd.s32 s16, s15;
	s17 =	ssub.f32 $1.500000000e+00, s7  }
0x196: {  	v23 =	vmov s6;
	s16 =	sand.u32 $0xFFFFFF80, s16  }
0x197: {  	v19 =	vsub.f32 v19, v23;
	v20 =	vsub.f32 v18, v23;
	p1 =	slt.s32 s15, $0x80;
	s15 =	ssub.s32 s15, s16;
	s17 =	smul.f32 s17, s11  }
0x198: {  	s6 =	simm.s32 $0x1;
	v18 =	vsub.f32 v21, v23;
	v21 =	vsub.f32 v22, v23;
	s7 =	simm.s32 @!p1 $0x3;
	s15 =	sshll.u32 s15, $0x9  }
.LBB2_20:
0x199: {  	s16 =	smov.u32 s6;
	s6 =	sadd.s32 $0x1, s6  }
0x19a: {  	v22 =	vmul.f32 s17, v7;
	v23 =	vmul.f32 s17, v8;
	p0 =	sne.s32 s4, s6  }
0x19b: {  	s11 =	sshra.s32 s15, $0x2;
	v24 =	vmul.f32 s17, v9;
	v25 =	vmul.f32 s17, v10  }
0x19c: {  	v17 =	vmov s16;
	v19 =	vmul.f32 v22, v19;
	v20 =	vmul.f32 v23, v20  }
0x19d: {  	v18 =	vmul.f32 v24, v18;
	v21 =	vmul.f32 v25, v21;
	_ =	swait.ge @!p1 [sflag:s7], $0x40  }
0x19e: {  	v19 =	vadd.f32 v19, v11;
	v20 =	vadd.f32 v20, v12;
	[sflag:s7] =	ssyncset.done @!p1 $0x0  }
0x19f: {  	v18 =	vadd.f32 v18, v13;
	v21 =	vadd.f32 v21, v14;
	[sflag:s7] =	ssyncadd.s32 @!p1 $0xFFFFFFC0  }
0x1a0: {  	[tilespmem:s11+$0x16000] =	vst v19;
	s7 =	spop (v2sf)  }
0x1a1: {  	[tilespmem:s11+$0x16030] =	vst v21;
	s7 =	sshll.u32 s7, $0x3  }
0x1a2: {  	[tilespmem:s11+$0x16010] =	vst v20;
	s7 =	sand.u32 $0x1FFFFFF8, s7  }
0x1a3: {  	s15 =	sadd.s32 $0x16000, s11;
	[tilespmem:s11+$0x16020] =	vst v18;
	s7 =	sadd.s32 s9, s7  }
0x1a4: {  	[hbm4b:s7+s10] =	stream.linear.scatter [tilespmem:s15], [sflag:$0x3], $0x40, $0x38;
	[tilespmem:$0x1A200] =	vst v63  }
0x1a5: {  	v18 =	vld.idx.msk [tilespmem:v17+s23+$0x0], $0xffff;
	_ =	sdelay $0x5  }
0x1a6: {  	v19 =	vsub.s32 v18, v15  }
0x1a7: {  	v18 =	vand.u32 $0x7F, v18;
	v19 =	vshll.u32 v19, $0x3  }
0x1a8: {  	v19 =	vand.u32 $0xFFFFFC00, v19  }
0x1a9: {  	v18 =	vor.u32 v18, v19  }
0x1aa: {  	v19 =	vadd.s32 v3, v18;
	v20 =	vadd.s32 v5, v18;
	v21 =	vadd.s32 v6, v18  }
0x1ab: {  	v18 =	vadd.s32 v4, v18  }
0x1ac: {  	s11 =	sadd.s32 s16, s28  }
0x1ad: {  	s7 =	sshra.s32 s11, $0x1F;
	p1 =	slt.s32 s11, $0x80  }
0x1ae: {  	s15 =	sshrl.u32 s7, $0x19;
	s7 =	simm.s32 @!p1 $0x3  }
0x1af: {  	s15 =	sadd.s32 s15, s11;
	v19 =	vld.idx.msk [tilespmem:v19+s21+$0x0], $0xffff  }
0x1b0: {  	s15 =	sand.u32 $0xFFFFFF80, s15;
	v21 =	vld.idx.msk [tilespmem:v21+s21+$0x0], $0xffff  }
0x1b1: {  	s11 =	ssub.s32 s11, s15;
	v22 =	vld.idx.msk [tilespmem:v20+s21+$0x0], $0xffff  }
0x1b2: {  	s15 =	sshll.u32 s11, $0x9;
	v18 =	vld.idx.msk [tilespmem:v18+s21+$0x0], $0xffff;
	_ =	sdelay $0x2  }
0x1b3: {  	v20 =	vmul.f32 v19, v19  }
0x1b4: {  	v23 =	vmul.f32 v21, v21  }
0x1b5: {  	v24 =	vadd.f32 v21, v22;
	v25 =	vmul.f32 v22, v22  }
0x1b6: {  	v26 =	vadd.f32 v18, v19;
	v27 =	vmul.f32 v18, v18  }
0x1b7: {  	v23 =	vadd.f32 v23, v25  }
0x1b8: {  	v24 =	vadd.f32 v24, v26;
	v20 =	vadd.f32 v27, v20;
	_ =	sdelay $0x1  }
0x1b9: {  	v20 =	vadd.f32 v23, v20;
	(xrf2) =	vadd.scan.msk.f32 $0xffff, v24;
	_ =	sdelay $0x2  }
0x1ba: {  	(xrf2) =	vadd.scan.msk.f32 $0xffff, v20;
	_ =	sdelay $0x6  }
0x1bb: {  	v20, _, _ =	vpop (xrf2)  }
0x1bc: {  	(v2sf) =	vpush v20, $0xF;
	_ =	sdelay $0x1  }
0x1bd: {  	v20, _, _ =	vpop (xrf2)  }
0x1be: {  	(v2sf) =	vpush v20, $0xF;
	_ =	sdelay $0xb  }
0x1bf: {  	s11 =	spop (v2sf)  }
0x1c0: {  	s11 =	smul.f32 $1.562500000e-02, s11;
	_ =	sdelay $0x1  }
0x1c1: {  	s16 =	smul.f32 s11, s11;
	v23 =	vmov s11;
	s11 =	spop (v2sf)  }
0x1c2: {  	s11 =	smul.f32 $1.562500000e-02, s11  }
0x1c3: {  	v19 =	vsub.f32 v19, v23;
	v20 =	vsub.f32 v18, v23  }
0x1c4: {  	v18 =	vsub.f32 v22, v23;
	v21 =	vsub.f32 v21, v23;
	s11 =	ssub.f32 s11, s16;
	_ =	sdelay $0x1  }
0x1c5: {  	s11 =	sadd.f32 $9.999999740e-06, s11;
	_ =	sdelay $0x1  }
0x1c6: {  	s16 =	sshra.s32 s11, $0x1;
	s11 =	smul.f32 $5.000000000e-01, s11  }
0x1c7: {  	s16 =	ssub.s32 $0x5F3759DF, s16  }
0x1c8: {  	s17 =	smul.f32 s16, s11;
	_ =	sdelay $0x1  }
0x1c9: {  	s17 =	smul.f32 s16, s17;
	_ =	sdelay $0x1  }
0x1ca: {  	s17 =	ssub.f32 $1.500000000e+00, s17;
	_ =	sdelay $0x1  }
0x1cb: {  	s16 =	smul.f32 s16, s17;
	_ =	sdelay $0x1  }
0x1cc: {  	s17 =	smul.f32 s16, s11;
	_ =	sdelay $0x1  }
0x1cd: {  	v17 =	vld.idx.msk [tilespmem:v17+s24+$0x0], $0xffff;
	s17 =	smul.f32 s17, s16;
	_ =	sdelay $0x1  }
0x1ce: {  	s17 =	ssub.f32 $1.500000000e+00, s17;
	_ =	sdelay $0x1  }
0x1cf: {  	s16 =	smul.f32 s17, s16;
	_ =	sdelay $0x1  }
0x1d0: {  	(v2sf) =	vpush v17, $0x0;
	s11 =	smul.f32 s16, s11;
	_ =	sdelay $0x1  }
0x1d1: {  	s11 =	smul.f32 s11, s16  }
.Ltmp19:
0x1d2: {  	(pc) =	sbr.rel @p0 .LBB2_20-.Ltmp19, $3  }
0x1d3: {  	_ = 	snop  }
0x1d4: {  	s11 =	ssub.f32 $1.500000000e+00, s11;
	_ =	sdelay $0x1  }
0x1d5: {  	s17 =	smul.f32 s11, s16  }
.Ltmp20:
0x1d6: {  	_ = 	snop;
	(pc) =	sbr.rel .LBB2_21-.Ltmp20, $1  }
0x1d7: {  	_ =	sdelay $0x3  }
.LBB2_24:
0x1d8: {  	p0 =	slt.s32 s28, $0x1  }
.Ltmp21:
0x1d9: {  	_ = 	snop;
	(pc) =	sbr.rel @p0 .LBB2_28-.Ltmp21, $1  }
0x1da: {  	_ =	sdelay $0x3  }
0x1db: {  	p0 =	slt.s32 s28, $0x80  }
0x1dc: {  	s28 =	simm.s32 @!p0 $0x80  }
0x1dd: {  	p0 =	sne.s32 s28, $0x1  }
.Ltmp22:
0x1de: {  	_ = 	snop;
	(pc) =	sbr.rel @!p0 .LBB2_27-.Ltmp22, $3  }
0x1df: {  	_ =	sdelay $0x1  }
0x1e0: {  	_ =	swait.ge [sflag:s25], $0x40  }
0x1e1: {  	[sflag:s25] =	ssyncset.done $0x0;
	s0 =	sadd.s32 $0xFFFFFFFF, s28  }
.LBB2_26:
0x1e2: {  	p0 =	sne.s32 s0, $0x1;
	s0 =	sadd.s32 $0xFFFFFFFF, s0;
	[sflag:s25] =	ssyncadd.s32 $0xFFFFFFC0  }
.Ltmp23:
0x1e3: {  	(pc) =	sbr.rel @p0 .LBB2_26-.Ltmp23, $3  }
0x1e4: {  	_ =	sdelay $0x1  }
0x1e5: {  	_ =	swait.ge [sflag:s25], $0x40  }
0x1e6: {  	[sflag:s25] =	ssyncset.done $0x0  }
.Ltmp24:
0x1e7: {  	_ = 	snop;
	(pc) =	sbr.rel .LBB2_27-.Ltmp24, $1  }
0x1e8: {  	_ =	sdelay $0x3  }
.LBB2_29:
0x1e9: {  	_ =	sfence.sel $0x180000  }
0x1ea: {  	[bflag:$0x0] =	sbarrier.arrive $0xFFFF  }
0x1eb: {  	_ =	strace $0x90000047  }
0x1ec: {  	s0 =	stileid.u32;
	[bflag:$0x2] =	sbarrier.arrive $0xFFFF  }
0x1ed: {  	p0 =	sne.s32 s0, $0x0;
	s0 =	rddreg [dreg:$0x5]  }
0x1ee: {  	s0 =	sadd.s32 @!p0 $0x100000, s0  }
0x1ef: {  	[sflag:s0] =	ssyncadd.tile.s32 @!p0 $0x1;
	_ =	shalt  }
.Lfunc_end2:
_tile_overlayer_lowered:
.L_overlay_start_2:
0x1f0: {  	(tag) =	ssettag $0x2  }
0x1f1: {  	s0 =	rddreg [dreg:$0x0];
	s2 =	stileid.u32  }
0x1f2: {  	s1 =	rddreg [dreg:$0x1];
	p0 =	sne.s32 s2, $0x0  }
0x1f3: {  	s3 =	rddreg [dreg:$0x2];
	[bflag:$0x3] =	sbarrier.arrive $0xFFFF;
	s2 =	simm.s32 @!p0 $0x1C04  }
0x1f4: {  	[timem:s3], [sflag:s2] =	dma.local @!p0 [hbm:s0], s1  }
0x1f5: {  	s0 =	simm.s32 @!p0 $0x4  }
0x1f6: {  	_ =	swait.ge @!p0 [sflag:s0], s1  }
0x1f7: {  	s1 =	ssub.s32 @!p0 $0x0, s1;
	[sflag:s0] =	ssyncset.done @!p0 $0x0  }
0x1f8: {  	[sflag:s0] =	ssyncadd.s32 @!p0 s1  }
0x1f9: {  	[bflag:$0x3] =	sbarrier.arrive $0xFFFF  }
0x1fa: {  	_ =	shalt  }

</sc_bundles>
